<compile_context>
chip_gen: v7x
topology: tpu7x:2x2x1
jax: 0.10.2.dev20260603
libtpu: 0.0.44.dev20260713+nightly
codegen_flags: <defaults>
</compile_context>

<pallas_src>
import functools
import jax
import jax.numpy as jnp
from jax import lax
from jax.experimental import pallas as pl
from jax.experimental.pallas import tpu as pltpu
from jax.experimental.pallas import tpu_sc as plsc

_N = 10000
_E = 320000
_D = 128

_NC = 2
_NS = 16
_NW = _NC * _NS
_CHUNK = 128
_EPW = 10240
_EPAD = _NW * _EPW
_NCHUNK = _EPW // _CHUNK
_K = 40
_NSUP = _NCHUNK // _K
_NPAD = 10240
_RPW = _NPAD // _NS


def _sc_aggr_body(h_hbm, src_hbm, dst_hbm, zro_hbm, out_hbm,
                  idx_s, idx_d, rows0, rows1, acc, sem0, sem1):
    c = lax.axis_index("c")
    s = lax.axis_index("s")
    wid = c * _NS + s
    pltpu.sync_copy(src_hbm.at[wid, 0], idx_s)
    pltpu.sync_copy(dst_hbm.at[wid, 0], idx_d)
    pltpu.async_copy(h_hbm.at[idx_d.at[0]], rows0, sem0)
    pltpu.sync_copy(zro_hbm, rows1)
    for r in range(_RPW // _CHUNK):
        pltpu.async_copy(rows1, acc.at[pl.ds(s * _RPW + r * _CHUNK, _CHUNK)],
                         sem1)
    for r in range(_RPW // _CHUNK):
        pltpu.make_async_copy(rows1, acc.at[pl.ds(s * _RPW + r * _CHUNK,
                                                  _CHUNK)], sem1).wait()
    plsc.subcore_barrier()

    def gather(j, buf, sem):
        return pltpu.async_copy(h_hbm.at[idx_d.at[j]], buf, sem)

    def gather_wait(j, buf, sem):
        pltpu.make_async_copy(h_hbm.at[idx_d.at[j]], buf, sem).wait()

    def scat(j, buf):
        pltpu.sync_copy(buf, acc.at[idx_s.at[j]], add=True)

    @pl.loop(0, _NSUP)
    def _(p):
        @pl.when(p > 0)
        def _():
            pltpu.sync_copy(src_hbm.at[wid, p], idx_s)
            pltpu.sync_copy(dst_hbm.at[wid, p], idx_d)
            gather(0, rows0, sem0)

        gather(1, rows1, sem1)

        @pl.loop(0, _K - 2, step=2)
        def _(j):
            gather_wait(j, rows0, sem0)
            scat(j, rows0)
            gather(j + 2, rows0, sem0)
            gather_wait(j + 1, rows1, sem1)
            scat(j + 1, rows1)
            gather(j + 3, rows1, sem1)

        gather_wait(_K - 2, rows0, sem0)
        scat(_K - 2, rows0)
        gather_wait(_K - 1, rows1, sem1)
        scat(_K - 1, rows1)

    plsc.subcore_barrier()
    pltpu.sync_copy(acc.at[pl.ds(s * _RPW, _RPW)], out_hbm.at[wid])


_sc_aggr = pl.kernel(
    _sc_aggr_body,
    out_type=jax.ShapeDtypeStruct((_NW, _RPW, _D), jnp.float32),
    mesh=plsc.VectorSubcoreMesh(core_axis_name="c", subcore_axis_name="s"),
    scratch_types=[
        pltpu.VMEM((_K, _CHUNK), jnp.int32),
        pltpu.VMEM((_K, _CHUNK), jnp.int32),
        pltpu.VMEM((_CHUNK, _D), jnp.float32),
        pltpu.VMEM((_CHUNK, _D), jnp.float32),
        pltpu.VMEM_SHARED((_NPAD, _D), jnp.float32),
        pltpu.SemaphoreType.DMA,
        pltpu.SemaphoreType.DMA,
    ],
    name="sc_edge_aggr",
)

_BLK = 8 * _RPW
_GRID = _NPAD // _BLK


def _tc_layer_body(p0, p1, h, wl, w0, w1, b, o):
    aggr = (p0[...] + p1[...]).reshape(_BLK, _D)
    acc = jnp.dot(aggr, wl[...], preferred_element_type=jnp.float32)
    acc += jnp.dot(h[...], w0[...] + w1[...], preferred_element_type=jnp.float32)
    o[...] = jnp.maximum(acc + b[...], 0.0)


def _tc_final_body(p0, p1, h, wl, w0, w1, b, wout, bout, o):
    aggr = (p0[...] + p1[...]).reshape(_BLK, _D)
    acc = jnp.dot(aggr, wl[...], preferred_element_type=jnp.float32)
    acc += jnp.dot(h[...], w0[...] + w1[...], preferred_element_type=jnp.float32)
    hid = jnp.maximum(acc + b[...], 0.0)
    o[...] = jnp.dot(hid, wout[...], preferred_element_type=jnp.float32) + bout[...]


_row_spec = pl.BlockSpec((_BLK, _D), lambda i: (i, 0))
_p0_spec = pl.BlockSpec((8, _RPW, _D), lambda i: (i, 0, 0))
_p1_spec = pl.BlockSpec((8, _RPW, _D), lambda i: (i + _NS // 8, 0, 0))
_w_spec = pl.BlockSpec((_D, _D), lambda i: (0, 0))
_b_spec = pl.BlockSpec((1, _D), lambda i: (0, 0))

_tc_layer = pl.pallas_call(
    _tc_layer_body,
    grid=(_GRID,),
    in_specs=[_p0_spec, _p1_spec, _row_spec, _w_spec, _w_spec, _w_spec, _b_spec],
    out_specs=_row_spec,
    out_shape=jax.ShapeDtypeStruct((_NPAD, _D), jnp.float32),
)

_tc_final = pl.pallas_call(
    _tc_final_body,
    grid=(_GRID,),
    in_specs=[_p0_spec, _p1_spec, _row_spec, _w_spec, _w_spec, _w_spec,
              _b_spec, _w_spec, _b_spec],
    out_specs=_row_spec,
    out_shape=jax.ShapeDtypeStruct((_NPAD, _D), jnp.float32),
)


@jax.jit
def kernel(x, edge_index_0, edge_index_1,
           W0_0, b0_0, Wl_0, bl_0, W1_0, b1_0,
           W0_1, b0_1, Wl_1, bl_1, W1_1, b1_1,
           Wout, bout):
    zeros = jnp.zeros((_CHUNK, _D), jnp.float32)
    xp = jnp.pad(x, ((0, _NPAD - _N), (0, 0)))

    npad = _EPAD - _E
    spad = _N + (jnp.arange(npad, dtype=jnp.int32) % (_NPAD - _N))
    dpad = jnp.arange(npad, dtype=jnp.int32) % _N

    def edge_views(ei):
        src = jnp.concatenate([ei[0], spad]).reshape(_NW, _NSUP, _K, _CHUNK)
        dst = jnp.concatenate([ei[1], dpad]).reshape(_NW, _NSUP, _K, _CHUNK)
        return src, dst

    src1, dst1 = edge_views(edge_index_1)
    src0, dst0 = edge_views(edge_index_0)

    P = _sc_aggr(xp, src1, dst1, zeros)
    h1 = _tc_layer(P, P, xp, Wl_1, W0_1, W1_1,
                   (bl_1 + b0_1 + b1_1).reshape(1, _D))

    Q = _sc_aggr(h1, src0, dst0, zeros)
    out = _tc_final(Q, Q, h1, Wl_0, W0_0, W1_0,
                    (bl_0 + b0_0 + b1_0).reshape(1, _D),
                    Wout, bout.reshape(1, _D))
    return out[:_N]

# --- scband reference (transcript-rebuilt; emitter-appended) ---
"""Pipeline reference for scband-mpsgnn-original-40535901339974 (READ-ONLY COPY).

The authoritative reference and input builder live on the scoring server;
editing this copy changes nothing except your own understanding.
"""

import jax, jax.numpy as jnp
import numpy as np

N = 10000
E = 320000
D = 128
L = 2


def setup_inputs(seed: int = 0) -> dict:
    key = jax.random.key(seed)
    ks = jax.random.split(key, 32)
    scale = 1.0 / np.sqrt(D)
    inp = {
        "x": jax.random.normal(ks[0], (N, D), dtype=jnp.float32),
        "edge_index_0": jax.random.randint(ks[1], (2, E), 0, N, dtype=jnp.int32),
        "edge_index_1": jax.random.randint(ks[2], (2, E), 0, N, dtype=jnp.int32),
    }
    i = 3
    for l in range(L):
        for nm in ("W0", "Wl", "W1"):
            inp[f"{nm}_{l}"] = jax.random.uniform(ks[i], (D, D), dtype=jnp.float32, minval=-scale, maxval=scale); i += 1
            inp[f"b{nm[1:]}_{l}"] = jax.random.uniform(ks[i], (D,), dtype=jnp.float32, minval=-scale, maxval=scale); i += 1
    inp["Wout"] = jax.random.uniform(ks[i], (D, D), dtype=jnp.float32, minval=-scale, maxval=scale); i += 1
    inp["bout"] = jax.random.uniform(ks[i], (D,), dtype=jnp.float32, minval=-scale, maxval=scale)
    return inp


def reference(x, edge_index_0, edge_index_1,
              W0_0, b0_0, Wl_0, bl_0, W1_0, b1_0,
              W0_1, b0_1, Wl_1, bl_1, W1_1, b1_1,
              Wout, bout):
    # MetaPathGNN: iterate metapath in reverse; each MetaPathGNNLayer uses
    # PyG MessagePassing(aggr='add', flow='target_to_source'):
    #   aggr_out[src] = sum over edges of h[dst]  (gather at edge_index[1], scatter-add to edge_index[0])
    #   out = w_l(aggr_out) + w_0(h) + w_1(x); note MetaPathGNN passes x=h_dict[dst], h=h_dict[dst]
    edges = [edge_index_0, edge_index_1]
    params = [
        (W0_0, b0_0, Wl_0, bl_0, W1_0, b1_0),
        (W0_1, b0_1, Wl_1, bl_1, W1_1, b1_1),
    ]
    h = x
    for conv_idx in reversed(range(L)):
        ei = edges[conv_idx]
        W0, b0, Wl, bl, W1, b1 = params[conv_idx]
        msgs = h[ei[1]]                               # gather messages from dst nodes
        aggr = jnp.zeros_like(h).at[ei[0]].add(msgs)  # scatter-add to src nodes
        h_new = (aggr @ Wl + bl) + (h @ W0 + b0) + (h @ W1 + b1)
        h = jax.nn.relu(h_new)
    return h @ Wout + bout

if __name__ == "__main__":
    import jax
    _d = setup_inputs()
    print(jax.jit(kernel)(*tuple(_d.values())))

</pallas_src>

<mosaic_0001>
#map = affine_map<(d0, d1) -> (0, 0)>
#map1 = affine_map<(d0, d1) -> (0, 0, 0, 0)>
#map2 = affine_map<(d0, d1) -> (0, 0, 0)>
module attributes {stable_mosaic.version = 14 : i64} {
  func.func @sc_edge_aggr(%arg0: i32, %arg1: i32, %arg2: memref<10240x128xf32, #tpu.memory_space<hbm>>, %arg3: memref<32x2x40x128xi32, #tpu.memory_space<hbm>>, %arg4: memref<32x2x40x128xi32, #tpu.memory_space<hbm>>, %arg5: memref<128x128xf32, #tpu.memory_space<hbm>>, %arg6: memref<32x640x128xf32, #tpu.memory_space<hbm>>, %arg7: memref<40x128xi32, #tpu.memory_space<vmem>>, %arg8: memref<40x128xi32, #tpu.memory_space<vmem>>, %arg9: memref<128x128xf32, #tpu.memory_space<vmem>>, %arg10: memref<128x128xf32, #tpu.memory_space<vmem>>, %arg11: memref<10240x128xf32, #tpu.memory_space<vmem_shared>>, %arg12: memref<!tpu.dma_semaphore, #tpu.memory_space<semaphore_mem>>, %arg13: memref<!tpu.dma_semaphore, #tpu.memory_space<semaphore_mem>>) attributes {dimension_semantics = [#tpu.dimension_semantics<core_parallel>, #tpu.dimension_semantics<subcore_parallel>], iteration_bounds = array<i64: 2, 16>, scalar_prefetch = 0 : i64, scratch_operands = 7 : i64, tpu.core_type = #tpu.core_type<sc_vector_subcore>, window_params = [{transform_indices = #map}, {transform_indices = #map1}, {transform_indices = #map1}, {transform_indices = #map}, {transform_indices = #map2}]} {
    %mul3A = arith.constant 16 : i32
    %mul3A_0 = arith.muli %arg0, %mul3A : i32
    %add3A = arith.addi %mul3A_0, %arg1 : i32
    %run_scoped3A = arith.constant 0 : i32
    "tpu.region"() ({
      %run_scoped3A_94 = tpu.sem_alloc : memref<!tpu.dma_semaphore, #tpu.memory_space<semaphore_mem>>
      %dma_start3A_95 = arith.constant 0 : i32
      %dma_start3A_96 = arith.constant 0 : i32
      %dma_start3A_97 = tpu.memref_slice %arg3[%add3A, %run_scoped3A, %dma_start3A_95, %dma_start3A_96] : memref<32x2x40x128xi32, #tpu.memory_space<hbm>> -> memref<1x1x40x128xi32, #tpu.memory_space<hbm>>
      %dma_start3A_98 = tpu.memref_squeeze %dma_start3A_97 : memref<1x1x40x128xi32, #tpu.memory_space<hbm>> -> memref<40x128xi32, #tpu.memory_space<hbm>>
      %dma_start3A_99 = arith.constant 0 : i32
      %dma_start3A_100 = arith.constant 0 : i32
      %dma_start3A_101 = tpu.memref_slice %arg3[%add3A, %run_scoped3A, %dma_start3A_99, %dma_start3A_100] : memref<32x2x40x128xi32, #tpu.memory_space<hbm>> -> memref<1x1x40x128xi32, #tpu.memory_space<hbm>>
      %dma_start3A_102 = tpu.memref_squeeze %dma_start3A_101 : memref<1x1x40x128xi32, #tpu.memory_space<hbm>> -> memref<40x128xi32, #tpu.memory_space<hbm>>
      tpu.enqueue_dma source(%dma_start3A_102 : memref<40x128xi32, #tpu.memory_space<hbm>>) target(%arg7 : memref<40x128xi32, #tpu.memory_space<vmem>>) target_semaphore(%run_scoped3A_94 : memref<!tpu.dma_semaphore, #tpu.memory_space<semaphore_mem>>)
      %dma_wait3A_103 = arith.constant 0 : i32
      %dma_wait3A_104 = arith.constant 0 : i32
      %dma_wait3A_105 = tpu.memref_slice %arg3[%add3A, %run_scoped3A, %dma_wait3A_103, %dma_wait3A_104] : memref<32x2x40x128xi32, #tpu.memory_space<hbm>> -> memref<1x1x40x128xi32, #tpu.memory_space<hbm>>
      %dma_wait3A_106 = tpu.memref_squeeze %dma_wait3A_105 : memref<1x1x40x128xi32, #tpu.memory_space<hbm>> -> memref<40x128xi32, #tpu.memory_space<hbm>>
      %dma_wait3A_107 = arith.constant 0 : i32
      %dma_wait3A_108 = arith.constant 0 : i32
      %dma_wait3A_109 = tpu.memref_slice %arg3[%add3A, %run_scoped3A, %dma_wait3A_107, %dma_wait3A_108] : memref<32x2x40x128xi32, #tpu.memory_space<hbm>> -> memref<1x1x40x128xi32, #tpu.memory_space<hbm>>
      %dma_wait3A_110 = tpu.memref_squeeze %dma_wait3A_109 : memref<1x1x40x128xi32, #tpu.memory_space<hbm>> -> memref<40x128xi32, #tpu.memory_space<hbm>>
      tpu.wait_dma2 semaphore(%run_scoped3A_94 : memref<!tpu.dma_semaphore, #tpu.memory_space<semaphore_mem>>) src(%dma_wait3A_110 : memref<40x128xi32, #tpu.memory_space<hbm>>) dst(%arg7 : memref<40x128xi32, #tpu.memory_space<vmem>>)
      tpu.yield
    }) : () -> ()
    %run_scoped3A_1 = arith.constant 0 : i32
    "tpu.region"() ({
      %run_scoped3A_94 = tpu.sem_alloc : memref<!tpu.dma_semaphore, #tpu.memory_space<semaphore_mem>>
      %dma_start3A_95 = arith.constant 0 : i32
      %dma_start3A_96 = arith.constant 0 : i32
      %dma_start3A_97 = tpu.memref_slice %arg4[%add3A, %run_scoped3A_1, %dma_start3A_95, %dma_start3A_96] : memref<32x2x40x128xi32, #tpu.memory_space<hbm>> -> memref<1x1x40x128xi32, #tpu.memory_space<hbm>>
      %dma_start3A_98 = tpu.memref_squeeze %dma_start3A_97 : memref<1x1x40x128xi32, #tpu.memory_space<hbm>> -> memref<40x128xi32, #tpu.memory_space<hbm>>
      %dma_start3A_99 = arith.constant 0 : i32
      %dma_start3A_100 = arith.constant 0 : i32
      %dma_start3A_101 = tpu.memref_slice %arg4[%add3A, %run_scoped3A_1, %dma_start3A_99, %dma_start3A_100] : memref<32x2x40x128xi32, #tpu.memory_space<hbm>> -> memref<1x1x40x128xi32, #tpu.memory_space<hbm>>
      %dma_start3A_102 = tpu.memref_squeeze %dma_start3A_101 : memref<1x1x40x128xi32, #tpu.memory_space<hbm>> -> memref<40x128xi32, #tpu.memory_space<hbm>>
      tpu.enqueue_dma source(%dma_start3A_102 : memref<40x128xi32, #tpu.memory_space<hbm>>) target(%arg8 : memref<40x128xi32, #tpu.memory_space<vmem>>) target_semaphore(%run_scoped3A_94 : memref<!tpu.dma_semaphore, #tpu.memory_space<semaphore_mem>>)
      %dma_wait3A_103 = arith.constant 0 : i32
      %dma_wait3A_104 = arith.constant 0 : i32
      %dma_wait3A_105 = tpu.memref_slice %arg4[%add3A, %run_scoped3A_1, %dma_wait3A_103, %dma_wait3A_104] : memref<32x2x40x128xi32, #tpu.memory_space<hbm>> -> memref<1x1x40x128xi32, #tpu.memory_space<hbm>>
      %dma_wait3A_106 = tpu.memref_squeeze %dma_wait3A_105 : memref<1x1x40x128xi32, #tpu.memory_space<hbm>> -> memref<40x128xi32, #tpu.memory_space<hbm>>
      %dma_wait3A_107 = arith.constant 0 : i32
      %dma_wait3A_108 = arith.constant 0 : i32
      %dma_wait3A_109 = tpu.memref_slice %arg4[%add3A, %run_scoped3A_1, %dma_wait3A_107, %dma_wait3A_108] : memref<32x2x40x128xi32, #tpu.memory_space<hbm>> -> memref<1x1x40x128xi32, #tpu.memory_space<hbm>>
      %dma_wait3A_110 = tpu.memref_squeeze %dma_wait3A_109 : memref<1x1x40x128xi32, #tpu.memory_space<hbm>> -> memref<40x128xi32, #tpu.memory_space<hbm>>
      tpu.wait_dma2 semaphore(%run_scoped3A_94 : memref<!tpu.dma_semaphore, #tpu.memory_space<semaphore_mem>>) src(%dma_wait3A_110 : memref<40x128xi32, #tpu.memory_space<hbm>>) dst(%arg8 : memref<40x128xi32, #tpu.memory_space<vmem>>)
      tpu.yield
    }) : () -> ()
    %dma_start3A = arith.constant 0 : i32
    %dma_start3A_2 = arith.constant 0 : i32
    %dma_start3A_3 = tpu.memref_slice %arg8[%dma_start3A, %dma_start3A_2] : memref<40x128xi32, #tpu.memory_space<vmem>> -> memref<1x128xi32, #tpu.memory_space<vmem>>
    %dma_start3A_4 = tpu.memref_squeeze %dma_start3A_3 : memref<1x128xi32, #tpu.memory_space<vmem>> -> memref<128xi32, #tpu.memory_space<vmem>>
    %dma_start3A_5 = arith.constant 0 : i32
    %dma_start3A_6 = arith.constant 0 : i32
    %dma_start3A_7 = tpu.memref_slice %arg2[%dma_start3A_5, %dma_start3A_6] : memref<10240x128xf32, #tpu.memory_space<hbm>> -> memref<10240x128xf32, #tpu.memory_space<hbm>>
    tpu.enqueue_indirect_dma source(%dma_start3A_7 : memref<10240x128xf32, #tpu.memory_space<hbm>>) target(%arg9 : memref<128x128xf32, #tpu.memory_space<vmem>>) offsets(%dma_start3A_4 : memref<128xi32, #tpu.memory_space<vmem>>) semaphore(%arg12 : memref<!tpu.dma_semaphore, #tpu.memory_space<semaphore_mem>>)
    "tpu.region"() ({
      %run_scoped3A_94 = tpu.sem_alloc : memref<!tpu.dma_semaphore, #tpu.memory_space<semaphore_mem>>
      tpu.enqueue_dma source(%arg5 : memref<128x128xf32, #tpu.memory_space<hbm>>) target(%arg10 : memref<128x128xf32, #tpu.memory_space<vmem>>) target_semaphore(%run_scoped3A_94 : memref<!tpu.dma_semaphore, #tpu.memory_space<semaphore_mem>>)
      tpu.wait_dma2 semaphore(%run_scoped3A_94 : memref<!tpu.dma_semaphore, #tpu.memory_space<semaphore_mem>>) src(%arg5 : memref<128x128xf32, #tpu.memory_space<hbm>>) dst(%arg10 : memref<128x128xf32, #tpu.memory_space<vmem>>)
      tpu.yield
    }) : () -> ()
    %mul3A_8 = arith.constant 640 : i32
    %mul3A_9 = arith.muli %arg1, %mul3A_8 : i32
    %add3A_10 = arith.constant 0 : i32
    %add3A_11 = arith.addi %mul3A_9, %add3A_10 : i32
    %dma_start3A_12 = arith.constant 0 : i32
    %dma_start3A_13 = tpu.memref_slice %arg11[%add3A_11, %dma_start3A_12] : memref<10240x128xf32, #tpu.memory_space<vmem_shared>> -> memref<128x128xf32, #tpu.memory_space<vmem_shared>>
    %dma_start3A_14 = arith.constant 0 : i32
    %dma_start3A_15 = tpu.memref_slice %arg11[%add3A_11, %dma_start3A_14] : memref<10240x128xf32, #tpu.memory_space<vmem_shared>> -> memref<128x128xf32, #tpu.memory_space<vmem_shared>>
    tpu.enqueue_dma source(%arg10 : memref<128x128xf32, #tpu.memory_space<vmem>>) target(%dma_start3A_15 : memref<128x128xf32, #tpu.memory_space<vmem_shared>>) target_semaphore(%arg13 : memref<!tpu.dma_semaphore, #tpu.memory_space<semaphore_mem>>)
    %mul3A_16 = arith.constant 640 : i32
    %mul3A_17 = arith.muli %arg1, %mul3A_16 : i32
    %add3A_18 = arith.constant 128 : i32
    %add3A_19 = arith.addi %mul3A_17, %add3A_18 : i32
    %dma_start3A_20 = arith.constant 0 : i32
    %dma_start3A_21 = tpu.memref_slice %arg11[%add3A_19, %dma_start3A_20] : memref<10240x128xf32, #tpu.memory_space<vmem_shared>> -> memref<128x128xf32, #tpu.memory_space<vmem_shared>>
    %dma_start3A_22 = arith.constant 0 : i32
    %dma_start3A_23 = tpu.memref_slice %arg11[%add3A_19, %dma_start3A_22] : memref<10240x128xf32, #tpu.memory_space<vmem_shared>> -> memref<128x128xf32, #tpu.memory_space<vmem_shared>>
    tpu.enqueue_dma source(%arg10 : memref<128x128xf32, #tpu.memory_space<vmem>>) target(%dma_start3A_23 : memref<128x128xf32, #tpu.memory_space<vmem_shared>>) target_semaphore(%arg13 : memref<!tpu.dma_semaphore, #tpu.memory_space<semaphore_mem>>)
    %mul3A_24 = arith.constant 640 : i32
    %mul3A_25 = arith.muli %arg1, %mul3A_24 : i32
    %add3A_26 = arith.constant 256 : i32
    %add3A_27 = arith.addi %mul3A_25, %add3A_26 : i32
    %dma_start3A_28 = arith.constant 0 : i32
    %dma_start3A_29 = tpu.memref_slice %arg11[%add3A_27, %dma_start3A_28] : memref<10240x128xf32, #tpu.memory_space<vmem_shared>> -> memref<128x128xf32, #tpu.memory_space<vmem_shared>>
    %dma_start3A_30 = arith.constant 0 : i32
    %dma_start3A_31 = tpu.memref_slice %arg11[%add3A_27, %dma_start3A_30] : memref<10240x128xf32, #tpu.memory_space<vmem_shared>> -> memref<128x128xf32, #tpu.memory_space<vmem_shared>>
    tpu.enqueue_dma source(%arg10 : memref<128x128xf32, #tpu.memory_space<vmem>>) target(%dma_start3A_31 : memref<128x128xf32, #tpu.memory_space<vmem_shared>>) target_semaphore(%arg13 : memref<!tpu.dma_semaphore, #tpu.memory_space<semaphore_mem>>)
    %mul3A_32 = arith.constant 640 : i32
    %mul3A_33 = arith.muli %arg1, %mul3A_32 : i32
    %add3A_34 = arith.constant 384 : i32
    %add3A_35 = arith.addi %mul3A_33, %add3A_34 : i32
    %dma_start3A_36 = arith.constant 0 : i32
    %dma_start3A_37 = tpu.memref_slice %arg11[%add3A_35, %dma_start3A_36] : memref<10240x128xf32, #tpu.memory_space<vmem_shared>> -> memref<128x128xf32, #tpu.memory_space<vmem_shared>>
    %dma_start3A_38 = arith.constant 0 : i32
    %dma_start3A_39 = tpu.memref_slice %arg11[%add3A_35, %dma_start3A_38] : memref<10240x128xf32, #tpu.memory_space<vmem_shared>> -> memref<128x128xf32, #tpu.memory_space<vmem_shared>>
    tpu.enqueue_dma source(%arg10 : memref<128x128xf32, #tpu.memory_space<vmem>>) target(%dma_start3A_39 : memref<128x128xf32, #tpu.memory_space<vmem_shared>>) target_semaphore(%arg13 : memref<!tpu.dma_semaphore, #tpu.memory_space<semaphore_mem>>)
    %mul3A_40 = arith.constant 640 : i32
    %mul3A_41 = arith.muli %arg1, %mul3A_40 : i32
    %add3A_42 = arith.constant 512 : i32
    %add3A_43 = arith.addi %mul3A_41, %add3A_42 : i32
    %dma_start3A_44 = arith.constant 0 : i32
    %dma_start3A_45 = tpu.memref_slice %arg11[%add3A_43, %dma_start3A_44] : memref<10240x128xf32, #tpu.memory_space<vmem_shared>> -> memref<128x128xf32, #tpu.memory_space<vmem_shared>>
    %dma_start3A_46 = arith.constant 0 : i32
    %dma_start3A_47 = tpu.memref_slice %arg11[%add3A_43, %dma_start3A_46] : memref<10240x128xf32, #tpu.memory_space<vmem_shared>> -> memref<128x128xf32, #tpu.memory_space<vmem_shared>>
    tpu.enqueue_dma source(%arg10 : memref<128x128xf32, #tpu.memory_space<vmem>>) target(%dma_start3A_47 : memref<128x128xf32, #tpu.memory_space<vmem_shared>>) target_semaphore(%arg13 : memref<!tpu.dma_semaphore, #tpu.memory_space<semaphore_mem>>)
    %mul3A_48 = arith.constant 640 : i32
    %mul3A_49 = arith.muli %arg1, %mul3A_48 : i32
    %add3A_50 = arith.constant 0 : i32
    %add3A_51 = arith.addi %mul3A_49, %add3A_50 : i32
    %dma_wait3A = arith.constant 0 : i32
    %dma_wait3A_52 = tpu.memref_slice %arg11[%add3A_51, %dma_wait3A] : memref<10240x128xf32, #tpu.memory_space<vmem_shared>> -> memref<128x128xf32, #tpu.memory_space<vmem_shared>>
    %dma_wait3A_53 = arith.constant 0 : i32
    %dma_wait3A_54 = tpu.memref_slice %arg11[%add3A_51, %dma_wait3A_53] : memref<10240x128xf32, #tpu.memory_space<vmem_shared>> -> memref<128x128xf32, #tpu.memory_space<vmem_shared>>
    tpu.wait_dma2 semaphore(%arg13 : memref<!tpu.dma_semaphore, #tpu.memory_space<semaphore_mem>>) src(%arg10 : memref<128x128xf32, #tpu.memory_space<vmem>>) dst(%dma_wait3A_54 : memref<128x128xf32, #tpu.memory_space<vmem_shared>>)
    %mul3A_55 = arith.constant 640 : i32
    %mul3A_56 = arith.muli %arg1, %mul3A_55 : i32
    %add3A_57 = arith.constant 128 : i32
    %add3A_58 = arith.addi %mul3A_56, %add3A_57 : i32
    %dma_wait3A_59 = arith.constant 0 : i32
    %dma_wait3A_60 = tpu.memref_slice %arg11[%add3A_58, %dma_wait3A_59] : memref<10240x128xf32, #tpu.memory_space<vmem_shared>> -> memref<128x128xf32, #tpu.memory_space<vmem_shared>>
    %dma_wait3A_61 = arith.constant 0 : i32
    %dma_wait3A_62 = tpu.memref_slice %arg11[%add3A_58, %dma_wait3A_61] : memref<10240x128xf32, #tpu.memory_space<vmem_shared>> -> memref<128x128xf32, #tpu.memory_space<vmem_shared>>
    tpu.wait_dma2 semaphore(%arg13 : memref<!tpu.dma_semaphore, #tpu.memory_space<semaphore_mem>>) src(%arg10 : memref<128x128xf32, #tpu.memory_space<vmem>>) dst(%dma_wait3A_62 : memref<128x128xf32, #tpu.memory_space<vmem_shared>>)
    %mul3A_63 = arith.constant 640 : i32
    %mul3A_64 = arith.muli %arg1, %mul3A_63 : i32
    %add3A_65 = arith.constant 256 : i32
    %add3A_66 = arith.addi %mul3A_64, %add3A_65 : i32
    %dma_wait3A_67 = arith.constant 0 : i32
    %dma_wait3A_68 = tpu.memref_slice %arg11[%add3A_66, %dma_wait3A_67] : memref<10240x128xf32, #tpu.memory_space<vmem_shared>> -> memref<128x128xf32, #tpu.memory_space<vmem_shared>>
    %dma_wait3A_69 = arith.constant 0 : i32
    %dma_wait3A_70 = tpu.memref_slice %arg11[%add3A_66, %dma_wait3A_69] : memref<10240x128xf32, #tpu.memory_space<vmem_shared>> -> memref<128x128xf32, #tpu.memory_space<vmem_shared>>
    tpu.wait_dma2 semaphore(%arg13 : memref<!tpu.dma_semaphore, #tpu.memory_space<semaphore_mem>>) src(%arg10 : memref<128x128xf32, #tpu.memory_space<vmem>>) dst(%dma_wait3A_70 : memref<128x128xf32, #tpu.memory_space<vmem_shared>>)
    %mul3A_71 = arith.constant 640 : i32
    %mul3A_72 = arith.muli %arg1, %mul3A_71 : i32
    %add3A_73 = arith.constant 384 : i32
    %add3A_74 = arith.addi %mul3A_72, %add3A_73 : i32
    %dma_wait3A_75 = arith.constant 0 : i32
    %dma_wait3A_76 = tpu.memref_slice %arg11[%add3A_74, %dma_wait3A_75] : memref<10240x128xf32, #tpu.memory_space<vmem_shared>> -> memref<128x128xf32, #tpu.memory_space<vmem_shared>>
    %dma_wait3A_77 = arith.constant 0 : i32
    %dma_wait3A_78 = tpu.memref_slice %arg11[%add3A_74, %dma_wait3A_77] : memref<10240x128xf32, #tpu.memory_space<vmem_shared>> -> memref<128x128xf32, #tpu.memory_space<vmem_shared>>
    tpu.wait_dma2 semaphore(%arg13 : memref<!tpu.dma_semaphore, #tpu.memory_space<semaphore_mem>>) src(%arg10 : memref<128x128xf32, #tpu.memory_space<vmem>>) dst(%dma_wait3A_78 : memref<128x128xf32, #tpu.memory_space<vmem_shared>>)
    %mul3A_79 = arith.constant 640 : i32
    %mul3A_80 = arith.muli %arg1, %mul3A_79 : i32
    %add3A_81 = arith.constant 512 : i32
    %add3A_82 = arith.addi %mul3A_80, %add3A_81 : i32
    %dma_wait3A_83 = arith.constant 0 : i32
    %dma_wait3A_84 = tpu.memref_slice %arg11[%add3A_82, %dma_wait3A_83] : memref<10240x128xf32, #tpu.memory_space<vmem_shared>> -> memref<128x128xf32, #tpu.memory_space<vmem_shared>>
    %dma_wait3A_85 = arith.constant 0 : i32
    %dma_wait3A_86 = tpu.memref_slice %arg11[%add3A_82, %dma_wait3A_85] : memref<10240x128xf32, #tpu.memory_space<vmem_shared>> -> memref<128x128xf32, #tpu.memory_space<vmem_shared>>
    tpu.wait_dma2 semaphore(%arg13 : memref<!tpu.dma_semaphore, #tpu.memory_space<semaphore_mem>>) src(%arg10 : memref<128x128xf32, #tpu.memory_space<vmem>>) dst(%dma_wait3A_86 : memref<128x128xf32, #tpu.memory_space<vmem_shared>>)
    %barrier3A = arith.constant 0 : index
    tpu.barrier barrier_id(%barrier3A)
    %scan3A = arith.constant 0 : i32
    %scan3A_87 = arith.constant 2 : i32
    %scan3A_88 = arith.addi %scan3A, %scan3A_87 : i32
    %scan3A_89 = arith.constant 1 : i32
    scf.for %scan3A_94 = %scan3A to %scan3A_88 step %scan3A_89  : i32 {
      %mul3A_95 = arith.constant 1 : i32
      %mul3A_96 = arith.muli %scan3A_94, %mul3A_95 : i32
      %add3A_97 = arith.constant 0 : i32
      %add3A_98 = arith.addi %add3A_97, %mul3A_96 : i32
      %gt3A = arith.constant 0 : i32
      %gt3A_99 = arith.cmpi sgt, %add3A_98, %gt3A : i32
      %convert_element_type3A = arith.extui %gt3A_99 : i1 to i32
      %cond3A = arith.constant 0 : i32
      %cond3A_100 = arith.cmpi ne, %convert_element_type3A, %cond3A : i32
      scf.if %cond3A_100 {
        "tpu.region"() ({
          %run_scoped3A_136 = tpu.sem_alloc : memref<!tpu.dma_semaphore, #tpu.memory_space<semaphore_mem>>
          %dma_start3A_137 = arith.constant 0 : i32
          %dma_start3A_138 = arith.constant 0 : i32
          %dma_start3A_139 = tpu.memref_slice %arg3[%add3A, %add3A_98, %dma_start3A_137, %dma_start3A_138] : memref<32x2x40x128xi32, #tpu.memory_space<hbm>> -> memref<1x1x40x128xi32, #tpu.memory_space<hbm>>
          %dma_start3A_140 = tpu.memref_squeeze %dma_start3A_139 : memref<1x1x40x128xi32, #tpu.memory_space<hbm>> -> memref<40x128xi32, #tpu.memory_space<hbm>>
          %dma_start3A_141 = arith.constant 0 : i32
          %dma_start3A_142 = arith.constant 0 : i32
          %dma_start3A_143 = tpu.memref_slice %arg3[%add3A, %add3A_98, %dma_start3A_141, %dma_start3A_142] : memref<32x2x40x128xi32, #tpu.memory_space<hbm>> -> memref<1x1x40x128xi32, #tpu.memory_space<hbm>>
          %dma_start3A_144 = tpu.memref_squeeze %dma_start3A_143 : memref<1x1x40x128xi32, #tpu.memory_space<hbm>> -> memref<40x128xi32, #tpu.memory_space<hbm>>
          tpu.enqueue_dma source(%dma_start3A_144 : memref<40x128xi32, #tpu.memory_space<hbm>>) target(%arg7 : memref<40x128xi32, #tpu.memory_space<vmem>>) target_semaphore(%run_scoped3A_136 : memref<!tpu.dma_semaphore, #tpu.memory_space<semaphore_mem>>)
          %dma_wait3A_145 = arith.constant 0 : i32
          %dma_wait3A_146 = arith.constant 0 : i32
          %dma_wait3A_147 = tpu.memref_slice %arg3[%add3A, %add3A_98, %dma_wait3A_145, %dma_wait3A_146] : memref<32x2x40x128xi32, #tpu.memory_space<hbm>> -> memref<1x1x40x128xi32, #tpu.memory_space<hbm>>
          %dma_wait3A_148 = tpu.memref_squeeze %dma_wait3A_147 : memref<1x1x40x128xi32, #tpu.memory_space<hbm>> -> memref<40x128xi32, #tpu.memory_space<hbm>>
          %dma_wait3A_149 = arith.constant 0 : i32
          %dma_wait3A_150 = arith.constant 0 : i32
          %dma_wait3A_151 = tpu.memref_slice %arg3[%add3A, %add3A_98, %dma_wait3A_149, %dma_wait3A_150] : memref<32x2x40x128xi32, #tpu.memory_space<hbm>> -> memref<1x1x40x128xi32, #tpu.memory_space<hbm>>
          %dma_wait3A_152 = tpu.memref_squeeze %dma_wait3A_151 : memref<1x1x40x128xi32, #tpu.memory_space<hbm>> -> memref<40x128xi32, #tpu.memory_space<hbm>>
          tpu.wait_dma2 semaphore(%run_scoped3A_136 : memref<!tpu.dma_semaphore, #tpu.memory_space<semaphore_mem>>) src(%dma_wait3A_152 : memref<40x128xi32, #tpu.memory_space<hbm>>) dst(%arg7 : memref<40x128xi32, #tpu.memory_space<vmem>>)
          tpu.yield
        }) : () -> ()
        "tpu.region"() ({
          %run_scoped3A_136 = tpu.sem_alloc : memref<!tpu.dma_semaphore, #tpu.memory_space<semaphore_mem>>
          %dma_start3A_137 = arith.constant 0 : i32
          %dma_start3A_138 = arith.constant 0 : i32
          %dma_start3A_139 = tpu.memref_slice %arg4[%add3A, %add3A_98, %dma_start3A_137, %dma_start3A_138] : memref<32x2x40x128xi32, #tpu.memory_space<hbm>> -> memref<1x1x40x128xi32, #tpu.memory_space<hbm>>
          %dma_start3A_140 = tpu.memref_squeeze %dma_start3A_139 : memref<1x1x40x128xi32, #tpu.memory_space<hbm>> -> memref<40x128xi32, #tpu.memory_space<hbm>>
          %dma_start3A_141 = arith.constant 0 : i32
          %dma_start3A_142 = arith.constant 0 : i32
          %dma_start3A_143 = tpu.memref_slice %arg4[%add3A, %add3A_98, %dma_start3A_141, %dma_start3A_142] : memref<32x2x40x128xi32, #tpu.memory_space<hbm>> -> memref<1x1x40x128xi32, #tpu.memory_space<hbm>>
          %dma_start3A_144 = tpu.memref_squeeze %dma_start3A_143 : memref<1x1x40x128xi32, #tpu.memory_space<hbm>> -> memref<40x128xi32, #tpu.memory_space<hbm>>
          tpu.enqueue_dma source(%dma_start3A_144 : memref<40x128xi32, #tpu.memory_space<hbm>>) target(%arg8 : memref<40x128xi32, #tpu.memory_space<vmem>>) target_semaphore(%run_scoped3A_136 : memref<!tpu.dma_semaphore, #tpu.memory_space<semaphore_mem>>)
          %dma_wait3A_145 = arith.constant 0 : i32
          %dma_wait3A_146 = arith.constant 0 : i32
          %dma_wait3A_147 = tpu.memref_slice %arg4[%add3A, %add3A_98, %dma_wait3A_145, %dma_wait3A_146] : memref<32x2x40x128xi32, #tpu.memory_space<hbm>> -> memref<1x1x40x128xi32, #tpu.memory_space<hbm>>
          %dma_wait3A_148 = tpu.memref_squeeze %dma_wait3A_147 : memref<1x1x40x128xi32, #tpu.memory_space<hbm>> -> memref<40x128xi32, #tpu.memory_space<hbm>>
          %dma_wait3A_149 = arith.constant 0 : i32
          %dma_wait3A_150 = arith.constant 0 : i32
          %dma_wait3A_151 = tpu.memref_slice %arg4[%add3A, %add3A_98, %dma_wait3A_149, %dma_wait3A_150] : memref<32x2x40x128xi32, #tpu.memory_space<hbm>> -> memref<1x1x40x128xi32, #tpu.memory_space<hbm>>
          %dma_wait3A_152 = tpu.memref_squeeze %dma_wait3A_151 : memref<1x1x40x128xi32, #tpu.memory_space<hbm>> -> memref<40x128xi32, #tpu.memory_space<hbm>>
          tpu.wait_dma2 semaphore(%run_scoped3A_136 : memref<!tpu.dma_semaphore, #tpu.memory_space<semaphore_mem>>) src(%dma_wait3A_152 : memref<40x128xi32, #tpu.memory_space<hbm>>) dst(%arg8 : memref<40x128xi32, #tpu.memory_space<vmem>>)
          tpu.yield
        }) : () -> ()
        %dma_start3A_129 = arith.constant 0 : i32
        %dma_start3A_130 = arith.constant 0 : i32
        %dma_start3A_131 = tpu.memref_slice %arg8[%dma_start3A_129, %dma_start3A_130] : memref<40x128xi32, #tpu.memory_space<vmem>> -> memref<1x128xi32, #tpu.memory_space<vmem>>
        %dma_start3A_132 = tpu.memref_squeeze %dma_start3A_131 : memref<1x128xi32, #tpu.memory_space<vmem>> -> memref<128xi32, #tpu.memory_space<vmem>>
        %dma_start3A_133 = arith.constant 0 : i32
        %dma_start3A_134 = arith.constant 0 : i32
        %dma_start3A_135 = tpu.memref_slice %arg2[%dma_start3A_133, %dma_start3A_134] : memref<10240x128xf32, #tpu.memory_space<hbm>> -> memref<10240x128xf32, #tpu.memory_space<hbm>>
        tpu.enqueue_indirect_dma source(%dma_start3A_135 : memref<10240x128xf32, #tpu.memory_space<hbm>>) target(%arg9 : memref<128x128xf32, #tpu.memory_space<vmem>>) offsets(%dma_start3A_132 : memref<128xi32, #tpu.memory_space<vmem>>) semaphore(%arg12 : memref<!tpu.dma_semaphore, #tpu.memory_space<semaphore_mem>>)
      } else {
      }
      %dma_start3A_101 = arith.constant 1 : i32
      %dma_start3A_102 = arith.constant 0 : i32
      %dma_start3A_103 = tpu.memref_slice %arg8[%dma_start3A_101, %dma_start3A_102] : memref<40x128xi32, #tpu.memory_space<vmem>> -> memref<1x128xi32, #tpu.memory_space<vmem>>
      %dma_start3A_104 = tpu.memref_squeeze %dma_start3A_103 : memref<1x128xi32, #tpu.memory_space<vmem>> -> memref<128xi32, #tpu.memory_space<vmem>>
      %dma_start3A_105 = arith.constant 0 : i32
      %dma_start3A_106 = arith.constant 0 : i32
      %dma_start3A_107 = tpu.memref_slice %arg2[%dma_start3A_105, %dma_start3A_106] : memref<10240x128xf32, #tpu.memory_space<hbm>> -> memref<10240x128xf32, #tpu.memory_space<hbm>>
      tpu.enqueue_indirect_dma source(%dma_start3A_107 : memref<10240x128xf32, #tpu.memory_space<hbm>>) target(%arg10 : memref<128x128xf32, #tpu.memory_space<vmem>>) offsets(%dma_start3A_104 : memref<128xi32, #tpu.memory_space<vmem>>) semaphore(%arg13 : memref<!tpu.dma_semaphore, #tpu.memory_space<semaphore_mem>>)
      %scan3A_108 = arith.constant 0 : i32
      %scan3A_109 = arith.constant 19 : i32
      %scan3A_110 = arith.addi %scan3A_108, %scan3A_109 : i32
      %scan3A_111 = arith.constant 1 : i32
      scf.for %scan3A_129 = %scan3A_108 to %scan3A_110 step %scan3A_111  : i32 {
        %mul3A_130 = arith.constant 2 : i32
        %mul3A_131 = arith.muli %scan3A_129, %mul3A_130 : i32
        %add3A_132 = arith.constant 0 : i32
        %add3A_133 = arith.addi %add3A_132, %mul3A_131 : i32
        %dma_wait3A_134 = arith.constant 0 : i32
        %dma_wait3A_135 = tpu.memref_slice %arg8[%add3A_133, %dma_wait3A_134] : memref<40x128xi32, #tpu.memory_space<vmem>> -> memref<1x128xi32, #tpu.memory_space<vmem>>
        %dma_wait3A_136 = tpu.memref_squeeze %dma_wait3A_135 : memref<1x128xi32, #tpu.memory_space<vmem>> -> memref<128xi32, #tpu.memory_space<vmem>>
        %dma_wait3A_137 = arith.constant 0 : i32
        %dma_wait3A_138 = arith.constant 0 : i32
        %dma_wait3A_139 = tpu.memref_slice %arg2[%dma_wait3A_137, %dma_wait3A_138] : memref<10240x128xf32, #tpu.memory_space<hbm>> -> memref<10240x128xf32, #tpu.memory_space<hbm>>
        tpu.wait_indirect_dma semaphore(%arg12 : memref<!tpu.dma_semaphore, #tpu.memory_space<semaphore_mem>>) src(%dma_wait3A_139 : memref<10240x128xf32, #tpu.memory_space<hbm>>) dst(%arg9 : memref<128x128xf32, #tpu.memory_space<vmem>>)
        "tpu.region"() ({
          %run_scoped3A_166 = tpu.sem_alloc : memref<!tpu.dma_semaphore, #tpu.memory_space<semaphore_mem>>
          %dma_start3A_167 = arith.constant 0 : i32
          %dma_start3A_168 = tpu.memref_slice %arg7[%add3A_133, %dma_start3A_167] : memref<40x128xi32, #tpu.memory_space<vmem>> -> memref<1x128xi32, #tpu.memory_space<vmem>>
          %dma_start3A_169 = tpu.memref_squeeze %dma_start3A_168 : memref<1x128xi32, #tpu.memory_space<vmem>> -> memref<128xi32, #tpu.memory_space<vmem>>
          %dma_start3A_170 = arith.constant 0 : i32
          %dma_start3A_171 = arith.constant 0 : i32
          %dma_start3A_172 = tpu.memref_slice %arg11[%dma_start3A_170, %dma_start3A_171] : memref<10240x128xf32, #tpu.memory_space<vmem_shared>> -> memref<10240x128xf32, #tpu.memory_space<vmem_shared>>
          tpu.enqueue_indirect_dma source(%arg9 : memref<128x128xf32, #tpu.memory_space<vmem>>) target(%dma_start3A_172 : memref<10240x128xf32, #tpu.memory_space<vmem_shared>>) offsets(%dma_start3A_169 : memref<128xi32, #tpu.memory_space<vmem>>) semaphore(%run_scoped3A_166 : memref<!tpu.dma_semaphore, #tpu.memory_space<semaphore_mem>>) {add = true}
          %dma_wait3A_173 = arith.constant 0 : i32
          %dma_wait3A_174 = tpu.memref_slice %arg7[%add3A_133, %dma_wait3A_173] : memref<40x128xi32, #tpu.memory_space<vmem>> -> memref<1x128xi32, #tpu.memory_space<vmem>>
          %dma_wait3A_175 = tpu.memref_squeeze %dma_wait3A_174 : memref<1x128xi32, #tpu.memory_space<vmem>> -> memref<128xi32, #tpu.memory_space<vmem>>
          %dma_wait3A_176 = arith.constant 0 : i32
          %dma_wait3A_177 = arith.constant 0 : i32
          %dma_wait3A_178 = tpu.memref_slice %arg11[%dma_wait3A_176, %dma_wait3A_177] : memref<10240x128xf32, #tpu.memory_space<vmem_shared>> -> memref<10240x128xf32, #tpu.memory_space<vmem_shared>>
          tpu.wait_indirect_dma semaphore(%run_scoped3A_166 : memref<!tpu.dma_semaphore, #tpu.memory_space<semaphore_mem>>) src(%arg9 : memref<128x128xf32, #tpu.memory_space<vmem>>) dst(%dma_wait3A_178 : memref<10240x128xf32, #tpu.memory_space<vmem_shared>>)
          tpu.yield
        }) : () -> ()
        %add3A_140 = arith.constant 2 : i32
        %add3A_141 = arith.addi %add3A_133, %add3A_140 : i32
        %dma_start3A_142 = arith.constant 0 : i32
        %dma_start3A_143 = tpu.memref_slice %arg8[%add3A_141, %dma_start3A_142] : memref<40x128xi32, #tpu.memory_space<vmem>> -> memref<1x128xi32, #tpu.memory_space<vmem>>
        %dma_start3A_144 = tpu.memref_squeeze %dma_start3A_143 : memref<1x128xi32, #tpu.memory_space<vmem>> -> memref<128xi32, #tpu.memory_space<vmem>>
        %dma_start3A_145 = arith.constant 0 : i32
        %dma_start3A_146 = arith.constant 0 : i32
        %dma_start3A_147 = tpu.memref_slice %arg2[%dma_start3A_145, %dma_start3A_146] : memref<10240x128xf32, #tpu.memory_space<hbm>> -> memref<10240x128xf32, #tpu.memory_space<hbm>>
        tpu.enqueue_indirect_dma source(%dma_start3A_147 : memref<10240x128xf32, #tpu.memory_space<hbm>>) target(%arg9 : memref<128x128xf32, #tpu.memory_space<vmem>>) offsets(%dma_start3A_144 : memref<128xi32, #tpu.memory_space<vmem>>) semaphore(%arg12 : memref<!tpu.dma_semaphore, #tpu.memory_space<semaphore_mem>>)
        %add3A_148 = arith.constant 1 : i32
        %add3A_149 = arith.addi %add3A_133, %add3A_148 : i32
        %dma_wait3A_150 = arith.constant 0 : i32
        %dma_wait3A_151 = tpu.memref_slice %arg8[%add3A_149, %dma_wait3A_150] : memref<40x128xi32, #tpu.memory_space<vmem>> -> memref<1x128xi32, #tpu.memory_space<vmem>>
        %dma_wait3A_152 = tpu.memref_squeeze %dma_wait3A_151 : memref<1x128xi32, #tpu.memory_space<vmem>> -> memref<128xi32, #tpu.memory_space<vmem>>
        %dma_wait3A_153 = arith.constant 0 : i32
        %dma_wait3A_154 = arith.constant 0 : i32
        %dma_wait3A_155 = tpu.memref_slice %arg2[%dma_wait3A_153, %dma_wait3A_154] : memref<10240x128xf32, #tpu.memory_space<hbm>> -> memref<10240x128xf32, #tpu.memory_space<hbm>>
        tpu.wait_indirect_dma semaphore(%arg13 : memref<!tpu.dma_semaphore, #tpu.memory_space<semaphore_mem>>) src(%dma_wait3A_155 : memref<10240x128xf32, #tpu.memory_space<hbm>>) dst(%arg10 : memref<128x128xf32, #tpu.memory_space<vmem>>)
        %add3A_156 = arith.constant 1 : i32
        %add3A_157 = arith.addi %add3A_133, %add3A_156 : i32
        "tpu.region"() ({
          %run_scoped3A_166 = tpu.sem_alloc : memref<!tpu.dma_semaphore, #tpu.memory_space<semaphore_mem>>
          %dma_start3A_167 = arith.constant 0 : i32
          %dma_start3A_168 = tpu.memref_slice %arg7[%add3A_157, %dma_start3A_167] : memref<40x128xi32, #tpu.memory_space<vmem>> -> memref<1x128xi32, #tpu.memory_space<vmem>>
          %dma_start3A_169 = tpu.memref_squeeze %dma_start3A_168 : memref<1x128xi32, #tpu.memory_space<vmem>> -> memref<128xi32, #tpu.memory_space<vmem>>
          %dma_start3A_170 = arith.constant 0 : i32
          %dma_start3A_171 = arith.constant 0 : i32
          %dma_start3A_172 = tpu.memref_slice %arg11[%dma_start3A_170, %dma_start3A_171] : memref<10240x128xf32, #tpu.memory_space<vmem_shared>> -> memref<10240x128xf32, #tpu.memory_space<vmem_shared>>
          tpu.enqueue_indirect_dma source(%arg10 : memref<128x128xf32, #tpu.memory_space<vmem>>) target(%dma_start3A_172 : memref<10240x128xf32, #tpu.memory_space<vmem_shared>>) offsets(%dma_start3A_169 : memref<128xi32, #tpu.memory_space<vmem>>) semaphore(%run_scoped3A_166 : memref<!tpu.dma_semaphore, #tpu.memory_space<semaphore_mem>>) {add = true}
          %dma_wait3A_173 = arith.constant 0 : i32
          %dma_wait3A_174 = tpu.memref_slice %arg7[%add3A_157, %dma_wait3A_173] : memref<40x128xi32, #tpu.memory_space<vmem>> -> memref<1x128xi32, #tpu.memory_space<vmem>>
          %dma_wait3A_175 = tpu.memref_squeeze %dma_wait3A_174 : memref<1x128xi32, #tpu.memory_space<vmem>> -> memref<128xi32, #tpu.memory_space<vmem>>
          %dma_wait3A_176 = arith.constant 0 : i32
          %dma_wait3A_177 = arith.constant 0 : i32
          %dma_wait3A_178 = tpu.memref_slice %arg11[%dma_wait3A_176, %dma_wait3A_177] : memref<10240x128xf32, #tpu.memory_space<vmem_shared>> -> memref<10240x128xf32, #tpu.memory_space<vmem_shared>>
          tpu.wait_indirect_dma semaphore(%run_scoped3A_166 : memref<!tpu.dma_semaphore, #tpu.memory_space<semaphore_mem>>) src(%arg10 : memref<128x128xf32, #tpu.memory_space<vmem>>) dst(%dma_wait3A_178 : memref<10240x128xf32, #tpu.memory_space<vmem_shared>>)
          tpu.yield
        }) : () -> ()
        %add3A_158 = arith.constant 3 : i32
        %add3A_159 = arith.addi %add3A_133, %add3A_158 : i32
        %dma_start3A_160 = arith.constant 0 : i32
        %dma_start3A_161 = tpu.memref_slice %arg8[%add3A_159, %dma_start3A_160] : memref<40x128xi32, #tpu.memory_space<vmem>> -> memref<1x128xi32, #tpu.memory_space<vmem>>
        %dma_start3A_162 = tpu.memref_squeeze %dma_start3A_161 : memref<1x128xi32, #tpu.memory_space<vmem>> -> memref<128xi32, #tpu.memory_space<vmem>>
        %dma_start3A_163 = arith.constant 0 : i32
        %dma_start3A_164 = arith.constant 0 : i32
        %dma_start3A_165 = tpu.memref_slice %arg2[%dma_start3A_163, %dma_start3A_164] : memref<10240x128xf32, #tpu.memory_space<hbm>> -> memref<10240x128xf32, #tpu.memory_space<hbm>>
        tpu.enqueue_indirect_dma source(%dma_start3A_165 : memref<10240x128xf32, #tpu.memory_space<hbm>>) target(%arg10 : memref<128x128xf32, #tpu.memory_space<vmem>>) offsets(%dma_start3A_162 : memref<128xi32, #tpu.memory_space<vmem>>) semaphore(%arg13 : memref<!tpu.dma_semaphore, #tpu.memory_space<semaphore_mem>>)
      }
      %scan3A_112 = arith.constant 19 : i32
      %dma_wait3A_113 = arith.constant 38 : i32
      %dma_wait3A_114 = arith.constant 0 : i32
      %dma_wait3A_115 = tpu.memref_slice %arg8[%dma_wait3A_113, %dma_wait3A_114] : memref<40x128xi32, #tpu.memory_space<vmem>> -> memref<1x128xi32, #tpu.memory_space<vmem>>
      %dma_wait3A_116 = tpu.memref_squeeze %dma_wait3A_115 : memref<1x128xi32, #tpu.memory_space<vmem>> -> memref<128xi32, #tpu.memory_space<vmem>>
      %dma_wait3A_117 = arith.constant 0 : i32
      %dma_wait3A_118 = arith.constant 0 : i32
      %dma_wait3A_119 = tpu.memref_slice %arg2[%dma_wait3A_117, %dma_wait3A_118] : memref<10240x128xf32, #tpu.memory_space<hbm>> -> memref<10240x128xf32, #tpu.memory_space<hbm>>
      tpu.wait_indirect_dma semaphore(%arg12 : memref<!tpu.dma_semaphore, #tpu.memory_space<semaphore_mem>>) src(%dma_wait3A_119 : memref<10240x128xf32, #tpu.memory_space<hbm>>) dst(%arg9 : memref<128x128xf32, #tpu.memory_space<vmem>>)
      %run_scoped3A_120 = arith.constant 38 : i32
      "tpu.region"() ({
        %run_scoped3A_129 = tpu.sem_alloc : memref<!tpu.dma_semaphore, #tpu.memory_space<semaphore_mem>>
        %dma_start3A_130 = arith.constant 0 : i32
        %dma_start3A_131 = tpu.memref_slice %arg7[%run_scoped3A_120, %dma_start3A_130] : memref<40x128xi32, #tpu.memory_space<vmem>> -> memref<1x128xi32, #tpu.memory_space<vmem>>
        %dma_start3A_132 = tpu.memref_squeeze %dma_start3A_131 : memref<1x128xi32, #tpu.memory_space<vmem>> -> memref<128xi32, #tpu.memory_space<vmem>>
        %dma_start3A_133 = arith.constant 0 : i32
        %dma_start3A_134 = arith.constant 0 : i32
        %dma_start3A_135 = tpu.memref_slice %arg11[%dma_start3A_133, %dma_start3A_134] : memref<10240x128xf32, #tpu.memory_space<vmem_shared>> -> memref<10240x128xf32, #tpu.memory_space<vmem_shared>>
        tpu.enqueue_indirect_dma source(%arg9 : memref<128x128xf32, #tpu.memory_space<vmem>>) target(%dma_start3A_135 : memref<10240x128xf32, #tpu.memory_space<vmem_shared>>) offsets(%dma_start3A_132 : memref<128xi32, #tpu.memory_space<vmem>>) semaphore(%run_scoped3A_129 : memref<!tpu.dma_semaphore, #tpu.memory_space<semaphore_mem>>) {add = true}
        %dma_wait3A_136 = arith.constant 0 : i32
        %dma_wait3A_137 = tpu.memref_slice %arg7[%run_scoped3A_120, %dma_wait3A_136] : memref<40x128xi32, #tpu.memory_space<vmem>> -> memref<1x128xi32, #tpu.memory_space<vmem>>
        %dma_wait3A_138 = tpu.memref_squeeze %dma_wait3A_137 : memref<1x128xi32, #tpu.memory_space<vmem>> -> memref<128xi32, #tpu.memory_space<vmem>>
        %dma_wait3A_139 = arith.constant 0 : i32
        %dma_wait3A_140 = arith.constant 0 : i32
        %dma_wait3A_141 = tpu.memref_slice %arg11[%dma_wait3A_139, %dma_wait3A_140] : memref<10240x128xf32, #tpu.memory_space<vmem_shared>> -> memref<10240x128xf32, #tpu.memory_space<vmem_shared>>
        tpu.wait_indirect_dma semaphore(%run_scoped3A_129 : memref<!tpu.dma_semaphore, #tpu.memory_space<semaphore_mem>>) src(%arg9 : memref<128x128xf32, #tpu.memory_space<vmem>>) dst(%dma_wait3A_141 : memref<10240x128xf32, #tpu.memory_space<vmem_shared>>)
        tpu.yield
      }) : () -> ()
      %dma_wait3A_121 = arith.constant 39 : i32
      %dma_wait3A_122 = arith.constant 0 : i32
      %dma_wait3A_123 = tpu.memref_slice %arg8[%dma_wait3A_121, %dma_wait3A_122] : memref<40x128xi32, #tpu.memory_space<vmem>> -> memref<1x128xi32, #tpu.memory_space<vmem>>
      %dma_wait3A_124 = tpu.memref_squeeze %dma_wait3A_123 : memref<1x128xi32, #tpu.memory_space<vmem>> -> memref<128xi32, #tpu.memory_space<vmem>>
      %dma_wait3A_125 = arith.constant 0 : i32
      %dma_wait3A_126 = arith.constant 0 : i32
      %dma_wait3A_127 = tpu.memref_slice %arg2[%dma_wait3A_125, %dma_wait3A_126] : memref<10240x128xf32, #tpu.memory_space<hbm>> -> memref<10240x128xf32, #tpu.memory_space<hbm>>
      tpu.wait_indirect_dma semaphore(%arg13 : memref<!tpu.dma_semaphore, #tpu.memory_space<semaphore_mem>>) src(%dma_wait3A_127 : memref<10240x128xf32, #tpu.memory_space<hbm>>) dst(%arg10 : memref<128x128xf32, #tpu.memory_space<vmem>>)
      %run_scoped3A_128 = arith.constant 39 : i32
      "tpu.region"() ({
        %run_scoped3A_129 = tpu.sem_alloc : memref<!tpu.dma_semaphore, #tpu.memory_space<semaphore_mem>>
        %dma_start3A_130 = arith.constant 0 : i32
        %dma_start3A_131 = tpu.memref_slice %arg7[%run_scoped3A_128, %dma_start3A_130] : memref<40x128xi32, #tpu.memory_space<vmem>> -> memref<1x128xi32, #tpu.memory_space<vmem>>
        %dma_start3A_132 = tpu.memref_squeeze %dma_start3A_131 : memref<1x128xi32, #tpu.memory_space<vmem>> -> memref<128xi32, #tpu.memory_space<vmem>>
        %dma_start3A_133 = arith.constant 0 : i32
        %dma_start3A_134 = arith.constant 0 : i32
        %dma_start3A_135 = tpu.memref_slice %arg11[%dma_start3A_133, %dma_start3A_134] : memref<10240x128xf32, #tpu.memory_space<vmem_shared>> -> memref<10240x128xf32, #tpu.memory_space<vmem_shared>>
        tpu.enqueue_indirect_dma source(%arg10 : memref<128x128xf32, #tpu.memory_space<vmem>>) target(%dma_start3A_135 : memref<10240x128xf32, #tpu.memory_space<vmem_shared>>) offsets(%dma_start3A_132 : memref<128xi32, #tpu.memory_space<vmem>>) semaphore(%run_scoped3A_129 : memref<!tpu.dma_semaphore, #tpu.memory_space<semaphore_mem>>) {add = true}
        %dma_wait3A_136 = arith.constant 0 : i32
        %dma_wait3A_137 = tpu.memref_slice %arg7[%run_scoped3A_128, %dma_wait3A_136] : memref<40x128xi32, #tpu.memory_space<vmem>> -> memref<1x128xi32, #tpu.memory_space<vmem>>
        %dma_wait3A_138 = tpu.memref_squeeze %dma_wait3A_137 : memref<1x128xi32, #tpu.memory_space<vmem>> -> memref<128xi32, #tpu.memory_space<vmem>>
        %dma_wait3A_139 = arith.constant 0 : i32
        %dma_wait3A_140 = arith.constant 0 : i32
        %dma_wait3A_141 = tpu.memref_slice %arg11[%dma_wait3A_139, %dma_wait3A_140] : memref<10240x128xf32, #tpu.memory_space<vmem_shared>> -> memref<10240x128xf32, #tpu.memory_space<vmem_shared>>
        tpu.wait_indirect_dma semaphore(%run_scoped3A_129 : memref<!tpu.dma_semaphore, #tpu.memory_space<semaphore_mem>>) src(%arg10 : memref<128x128xf32, #tpu.memory_space<vmem>>) dst(%dma_wait3A_141 : memref<10240x128xf32, #tpu.memory_space<vmem_shared>>)
        tpu.yield
      }) : () -> ()
    }
    %scan3A_90 = arith.constant 2 : i32
    %barrier3A_91 = arith.constant 0 : index
    tpu.barrier barrier_id(%barrier3A_91)
    %mul3A_92 = arith.constant 640 : i32
    %mul3A_93 = arith.muli %arg1, %mul3A_92 : i32
    "tpu.region"() ({
      %run_scoped3A_94 = tpu.sem_alloc : memref<!tpu.dma_semaphore, #tpu.memory_space<semaphore_mem>>
      %dma_start3A_95 = arith.constant 0 : i32
      %dma_start3A_96 = arith.constant 0 : i32
      %dma_start3A_97 = tpu.memref_slice %arg6[%add3A, %dma_start3A_95, %dma_start3A_96] : memref<32x640x128xf32, #tpu.memory_space<hbm>> -> memref<1x640x128xf32, #tpu.memory_space<hbm>>
      %dma_start3A_98 = tpu.memref_squeeze %dma_start3A_97 : memref<1x640x128xf32, #tpu.memory_space<hbm>> -> memref<640x128xf32, #tpu.memory_space<hbm>>
      %dma_start3A_99 = arith.constant 0 : i32
      %dma_start3A_100 = tpu.memref_slice %arg11[%mul3A_93, %dma_start3A_99] : memref<10240x128xf32, #tpu.memory_space<vmem_shared>> -> memref<640x128xf32, #tpu.memory_space<vmem_shared>>
      tpu.enqueue_dma source(%dma_start3A_100 : memref<640x128xf32, #tpu.memory_space<vmem_shared>>) target(%dma_start3A_98 : memref<640x128xf32, #tpu.memory_space<hbm>>) target_semaphore(%run_scoped3A_94 : memref<!tpu.dma_semaphore, #tpu.memory_space<semaphore_mem>>)
      %dma_wait3A_101 = arith.constant 0 : i32
      %dma_wait3A_102 = arith.constant 0 : i32
      %dma_wait3A_103 = tpu.memref_slice %arg6[%add3A, %dma_wait3A_101, %dma_wait3A_102] : memref<32x640x128xf32, #tpu.memory_space<hbm>> -> memref<1x640x128xf32, #tpu.memory_space<hbm>>
      %dma_wait3A_104 = tpu.memref_squeeze %dma_wait3A_103 : memref<1x640x128xf32, #tpu.memory_space<hbm>> -> memref<640x128xf32, #tpu.memory_space<hbm>>
      %dma_wait3A_105 = arith.constant 0 : i32
      %dma_wait3A_106 = tpu.memref_slice %arg11[%mul3A_93, %dma_wait3A_105] : memref<10240x128xf32, #tpu.memory_space<vmem_shared>> -> memref<640x128xf32, #tpu.memory_space<vmem_shared>>
      tpu.wait_dma2 semaphore(%run_scoped3A_94 : memref<!tpu.dma_semaphore, #tpu.memory_space<semaphore_mem>>) src(%dma_wait3A_106 : memref<640x128xf32, #tpu.memory_space<vmem_shared>>) dst(%dma_wait3A_104 : memref<640x128xf32, #tpu.memory_space<hbm>>)
      tpu.yield
    }) : () -> ()
    return
  }
}

#map = affine_map<(d0, d1) -> (0, 0)>
#map1 = affine_map<(d0, d1) -> (0, 0, 0, 0)>
#map2 = affine_map<(d0, d1) -> (0, 0, 0)>
module attributes {stable_mosaic.version = 14 : i64} {
  func.func @sc_edge_aggr(%arg0: i32, %arg1: i32, %arg2: memref<10240x128xf32, #tpu.memory_space<hbm>>, %arg3: memref<32x2x40x128xi32, #tpu.memory_space<hbm>>, %arg4: memref<32x2x40x128xi32, #tpu.memory_space<hbm>>, %arg5: memref<128x128xf32, #tpu.memory_space<hbm>>, %arg6: memref<32x640x128xf32, #tpu.memory_space<hbm>>, %arg7: memref<40x128xi32, #tpu.memory_space<vmem>>, %arg8: memref<40x128xi32, #tpu.memory_space<vmem>>, %arg9: memref<128x128xf32, #tpu.memory_space<vmem>>, %arg10: memref<128x128xf32, #tpu.memory_space<vmem>>, %arg11: memref<10240x128xf32, #tpu.memory_space<vmem_shared>>, %arg12: memref<!tpu.dma_semaphore, #tpu.memory_space<semaphore_mem>>, %arg13: memref<!tpu.dma_semaphore, #tpu.memory_space<semaphore_mem>>) attributes {dimension_semantics = [#tpu.dimension_semantics<core_parallel>, #tpu.dimension_semantics<subcore_parallel>], iteration_bounds = array<i64: 2, 16>, scalar_prefetch = 0 : i64, scratch_operands = 7 : i64, tpu.core_type = #tpu.core_type<sc_vector_subcore>, window_params = [{transform_indices = #map}, {transform_indices = #map1}, {transform_indices = #map1}, {transform_indices = #map}, {transform_indices = #map2}]} {
    %mul3A = arith.constant 16 : i32
    %mul3A_0 = arith.muli %arg0, %mul3A : i32
    %add3A = arith.addi %mul3A_0, %arg1 : i32
    %run_scoped3A = arith.constant 0 : i32
    "tpu.region"() ({
      %run_scoped3A_94 = tpu.sem_alloc : memref<!tpu.dma_semaphore, #tpu.memory_space<semaphore_mem>>
      %dma_start3A_95 = arith.constant 0 : i32
      %dma_start3A_96 = arith.constant 0 : i32
      %dma_start3A_97 = tpu.memref_slice %arg3[%add3A, %run_scoped3A, %dma_start3A_95, %dma_start3A_96] : memref<32x2x40x128xi32, #tpu.memory_space<hbm>> -> memref<1x1x40x128xi32, #tpu.memory_space<hbm>>
      %dma_start3A_98 = tpu.memref_squeeze %dma_start3A_97 : memref<1x1x40x128xi32, #tpu.memory_space<hbm>> -> memref<40x128xi32, #tpu.memory_space<hbm>>
      %dma_start3A_99 = arith.constant 0 : i32
      %dma_start3A_100 = arith.constant 0 : i32
      %dma_start3A_101 = tpu.memref_slice %arg3[%add3A, %run_scoped3A, %dma_start3A_99, %dma_start3A_100] : memref<32x2x40x128xi32, #tpu.memory_space<hbm>> -> memref<1x1x40x128xi32, #tpu.memory_space<hbm>>
      %dma_start3A_102 = tpu.memref_squeeze %dma_start3A_101 : memref<1x1x40x128xi32, #tpu.memory_space<hbm>> -> memref<40x128xi32, #tpu.memory_space<hbm>>
      tpu.enqueue_dma source(%dma_start3A_102 : memref<40x128xi32, #tpu.memory_space<hbm>>) target(%arg7 : memref<40x128xi32, #tpu.memory_space<vmem>>) target_semaphore(%run_scoped3A_94 : memref<!tpu.dma_semaphore, #tpu.memory_space<semaphore_mem>>)
      %dma_wait3A_103 = arith.constant 0 : i32
      %dma_wait3A_104 = arith.constant 0 : i32
      %dma_wait3A_105 = tpu.memref_slice %arg3[%add3A, %run_scoped3A, %dma_wait3A_103, %dma_wait3A_104] : memref<32x2x40x128xi32, #tpu.memory_space<hbm>> -> memref<1x1x40x128xi32, #tpu.memory_space<hbm>>
      %dma_wait3A_106 = tpu.memref_squeeze %dma_wait3A_105 : memref<1x1x40x128xi32, #tpu.memory_space<hbm>> -> memref<40x128xi32, #tpu.memory_space<hbm>>
      %dma_wait3A_107 = arith.constant 0 : i32
      %dma_wait3A_108 = arith.constant 0 : i32
      %dma_wait3A_109 = tpu.memref_slice %arg3[%add3A, %run_scoped3A, %dma_wait3A_107, %dma_wait3A_108] : memref<32x2x40x128xi32, #tpu.memory_space<hbm>> -> memref<1x1x40x128xi32, #tpu.memory_space<hbm>>
      %dma_wait3A_110 = tpu.memref_squeeze %dma_wait3A_109 : memref<1x1x40x128xi32, #tpu.memory_space<hbm>> -> memref<40x128xi32, #tpu.memory_space<hbm>>
      tpu.wait_dma2 semaphore(%run_scoped3A_94 : memref<!tpu.dma_semaphore, #tpu.memory_space<semaphore_mem>>) src(%dma_wait3A_110 : memref<40x128xi32, #tpu.memory_space<hbm>>) dst(%arg7 : memref<40x128xi32, #tpu.memory_space<vmem>>)
      tpu.yield
    }) : () -> ()
    %run_scoped3A_1 = arith.constant 0 : i32
    "tpu.region"() ({
      %run_scoped3A_94 = tpu.sem_alloc : memref<!tpu.dma_semaphore, #tpu.memory_space<semaphore_mem>>
      %dma_start3A_95 = arith.constant 0 : i32
      %dma_start3A_96 = arith.constant 0 : i32
      %dma_start3A_97 = tpu.memref_slice %arg4[%add3A, %run_scoped3A_1, %dma_start3A_95, %dma_start3A_96] : memref<32x2x40x128xi32, #tpu.memory_space<hbm>> -> memref<1x1x40x128xi32, #tpu.memory_space<hbm>>
      %dma_start3A_98 = tpu.memref_squeeze %dma_start3A_97 : memref<1x1x40x128xi32, #tpu.memory_space<hbm>> -> memref<40x128xi32, #tpu.memory_space<hbm>>
      %dma_start3A_99 = arith.constant 0 : i32
      %dma_start3A_100 = arith.constant 0 : i32
      %dma_start3A_101 = tpu.memref_slice %arg4[%add3A, %run_scoped3A_1, %dma_start3A_99, %dma_start3A_100] : memref<32x2x40x128xi32, #tpu.memory_space<hbm>> -> memref<1x1x40x128xi32, #tpu.memory_space<hbm>>
      %dma_start3A_102 = tpu.memref_squeeze %dma_start3A_101 : memref<1x1x40x128xi32, #tpu.memory_space<hbm>> -> memref<40x128xi32, #tpu.memory_space<hbm>>
      tpu.enqueue_dma source(%dma_start3A_102 : memref<40x128xi32, #tpu.memory_space<hbm>>) target(%arg8 : memref<40x128xi32, #tpu.memory_space<vmem>>) target_semaphore(%run_scoped3A_94 : memref<!tpu.dma_semaphore, #tpu.memory_space<semaphore_mem>>)
      %dma_wait3A_103 = arith.constant 0 : i32
      %dma_wait3A_104 = arith.constant 0 : i32
      %dma_wait3A_105 = tpu.memref_slice %arg4[%add3A, %run_scoped3A_1, %dma_wait3A_103, %dma_wait3A_104] : memref<32x2x40x128xi32, #tpu.memory_space<hbm>> -> memref<1x1x40x128xi32, #tpu.memory_space<hbm>>
      %dma_wait3A_106 = tpu.memref_squeeze %dma_wait3A_105 : memref<1x1x40x128xi32, #tpu.memory_space<hbm>> -> memref<40x128xi32, #tpu.memory_space<hbm>>
      %dma_wait3A_107 = arith.constant 0 : i32
      %dma_wait3A_108 = arith.constant 0 : i32
      %dma_wait3A_109 = tpu.memref_slice %arg4[%add3A, %run_scoped3A_1, %dma_wait3A_107, %dma_wait3A_108] : memref<32x2x40x128xi32, #tpu.memory_space<hbm>> -> memref<1x1x40x128xi32, #tpu.memory_space<hbm>>
      %dma_wait3A_110 = tpu.memref_squeeze %dma_wait3A_109 : memref<1x1x40x128xi32, #tpu.memory_space<hbm>> -> memref<40x128xi32, #tpu.memory_space<hbm>>
      tpu.wait_dma2 semaphore(%run_scoped3A_94 : memref<!tpu.dma_semaphore, #tpu.memory_space<semaphore_mem>>) src(%dma_wait3A_110 : memref<40x128xi32, #tpu.memory_space<hbm>>) dst(%arg8 : memref<40x128xi32, #tpu.memory_space<vmem>>)
      tpu.yield
    }) : () -> ()
    %dma_start3A = arith.constant 0 : i32
    %dma_start3A_2 = arith.constant 0 : i32
    %dma_start3A_3 = tpu.memref_slice %arg8[%dma_start3A, %dma_start3A_2] : memref<40x128xi32, #tpu.memory_space<vmem>> -> memref<1x128xi32, #tpu.memory_space<vmem>>
    %dma_start3A_4 = tpu.memref_squeeze %dma_start3A_3 : memref<1x128xi32, #tpu.memory_space<vmem>> -> memref<128xi32, #tpu.memory_space<vmem>>
    %dma_start3A_5 = arith.constant 0 : i32
    %dma_start3A_6 = arith.constant 0 : i32
    %dma_start3A_7 = tpu.memref_slice %arg2[%dma_start3A_5, %dma_start3A_6] : memref<10240x128xf32, #tpu.memory_space<hbm>> -> memref<10240x128xf32, #tpu.memory_space<hbm>>
    tpu.enqueue_indirect_dma source(%dma_start3A_7 : memref<10240x128xf32, #tpu.memory_space<hbm>>) target(%arg9 : memref<128x128xf32, #tpu.memory_space<vmem>>) offsets(%dma_start3A_4 : memref<128xi32, #tpu.memory_space<vmem>>) semaphore(%arg12 : memref<!tpu.dma_semaphore, #tpu.memory_space<semaphore_mem>>)
    "tpu.region"() ({
      %run_scoped3A_94 = tpu.sem_alloc : memref<!tpu.dma_semaphore, #tpu.memory_space<semaphore_mem>>
      tpu.enqueue_dma source(%arg5 : memref<128x128xf32, #tpu.memory_space<hbm>>) target(%arg10 : memref<128x128xf32, #tpu.memory_space<vmem>>) target_semaphore(%run_scoped3A_94 : memref<!tpu.dma_semaphore, #tpu.memory_space<semaphore_mem>>)
      tpu.wait_dma2 semaphore(%run_scoped3A_94 : memref<!tpu.dma_semaphore, #tpu.memory_space<semaphore_mem>>) src(%arg5 : memref<128x128xf32, #tpu.memory_space<hbm>>) dst(%arg10 : memref<128x128xf32, #tpu.memory_space<vmem>>)
      tpu.yield
    }) : () -> ()
    %mul3A_8 = arith.constant 640 : i32
    %mul3A_9 = arith.muli %arg1, %mul3A_8 : i32
    %add3A_10 = arith.constant 0 : i32
    %add3A_11 = arith.addi %mul3A_9, %add3A_10 : i32
    %dma_start3A_12 = arith.constant 0 : i32
    %dma_start3A_13 = tpu.memref_slice %arg11[%add3A_11, %dma_start3A_12] : memref<10240x128xf32, #tpu.memory_space<vmem_shared>> -> memref<128x128xf32, #tpu.memory_space<vmem_shared>>
    %dma_start3A_14 = arith.constant 0 : i32
    %dma_start3A_15 = tpu.memref_slice %arg11[%add3A_11, %dma_start3A_14] : memref<10240x128xf32, #tpu.memory_space<vmem_shared>> -> memref<128x128xf32, #tpu.memory_space<vmem_shared>>
    tpu.enqueue_dma source(%arg10 : memref<128x128xf32, #tpu.memory_space<vmem>>) target(%dma_start3A_15 : memref<128x128xf32, #tpu.memory_space<vmem_shared>>) target_semaphore(%arg13 : memref<!tpu.dma_semaphore, #tpu.memory_space<semaphore_mem>>)
    %mul3A_16 = arith.constant 640 : i32
    %mul3A_17 = arith.muli %arg1, %mul3A_16 : i32
    %add3A_18 = arith.constant 128 : i32
    %add3A_19 = arith.addi %mul3A_17, %add3A_18 : i32
    %dma_start3A_20 = arith.constant 0 : i32
    %dma_start3A_21 = tpu.memref_slice %arg11[%add3A_19, %dma_start3A_20] : memref<10240x128xf32, #tpu.memory_space<vmem_shared>> -> memref<128x128xf32, #tpu.memory_space<vmem_shared>>
    %dma_start3A_22 = arith.constant 0 : i32
    %dma_start3A_23 = tpu.memref_slice %arg11[%add3A_19, %dma_start3A_22] : memref<10240x128xf32, #tpu.memory_space<vmem_shared>> -> memref<128x128xf32, #tpu.memory_space<vmem_shared>>
    tpu.enqueue_dma source(%arg10 : memref<128x128xf32, #tpu.memory_space<vmem>>) target(%dma_start3A_23 : memref<128x128xf32, #tpu.memory_space<vmem_shared>>) target_semaphore(%arg13 : memref<!tpu.dma_semaphore, #tpu.memory_space<semaphore_mem>>)
    %mul3A_24 = arith.constant 640 : i32
    %mul3A_25 = arith.muli %arg1, %mul3A_24 : i32
    %add3A_26 = arith.constant 256 : i32
    %add3A_27 = arith.addi %mul3A_25, %add3A_26 : i32
    %dma_start3A_28 = arith.constant 0 : i32
    %dma_start3A_29 = tpu.memref_slice %arg11[%add3A_27, %dma_start3A_28] : memref<10240x128xf32, #tpu.memory_space<vmem_shared>> -> memref<128x128xf32, #tpu.memory_space<vmem_shared>>
    %dma_start3A_30 = arith.constant 0 : i32
    %dma_start3A_31 = tpu.memref_slice %arg11[%add3A_27, %dma_start3A_30] : memref<10240x128xf32, #tpu.memory_space<vmem_shared>> -> memref<128x128xf32, #tpu.memory_space<vmem_shared>>
    tpu.enqueue_dma source(%arg10 : memref<128x128xf32, #tpu.memory_space<vmem>>) target(%dma_start3A_31 : memref<128x128xf32, #tpu.memory_space<vmem_shared>>) target_semaphore(%arg13 : memref<!tpu.dma_semaphore, #tpu.memory_space<semaphore_mem>>)
    %mul3A_32 = arith.constant 640 : i32
    %mul3A_33 = arith.muli %arg1, %mul3A_32 : i32
    %add3A_34 = arith.constant 384 : i32
    %add3A_35 = arith.addi %mul3A_33, %add3A_34 : i32
    %dma_start3A_36 = arith.constant 0 : i32
    %dma_start3A_37 = tpu.memref_slice %arg11[%add3A_35, %dma_start3A_36] : memref<10240x128xf32, #tpu.memory_space<vmem_shared>> -> memref<128x128xf32, #tpu.memory_space<vmem_shared>>
    %dma_start3A_38 = arith.constant 0 : i32
    %dma_start3A_39 = tpu.memref_slice %arg11[%add3A_35, %dma_start3A_38] : memref<10240x128xf32, #tpu.memory_space<vmem_shared>> -> memref<128x128xf32, #tpu.memory_space<vmem_shared>>
    tpu.enqueue_dma source(%arg10 : memref<128x128xf32, #tpu.memory_space<vmem>>) target(%dma_start3A_39 : memref<128x128xf32, #tpu.memory_space<vmem_shared>>) target_semaphore(%arg13 : memref<!tpu.dma_semaphore, #tpu.memory_space<semaphore_mem>>)
    %mul3A_40 = arith.constant 640 : i32
    %mul3A_41 = arith.muli %arg1, %mul3A_40 : i32
    %add3A_42 = arith.constant 512 : i32
    %add3A_43 = arith.addi %mul3A_41, %add3A_42 : i32
    %dma_start3A_44 = arith.constant 0 : i32
    %dma_start3A_45 = tpu.memref_slice %arg11[%add3A_43, %dma_start3A_44] : memref<10240x128xf32, #tpu.memory_space<vmem_shared>> -> memref<128x128xf32, #tpu.memory_space<vmem_shared>>
    %dma_start3A_46 = arith.constant 0 : i32
    %dma_start3A_47 = tpu.memref_slice %arg11[%add3A_43, %dma_start3A_46] : memref<10240x128xf32, #tpu.memory_space<vmem_shared>> -> memref<128x128xf32, #tpu.memory_space<vmem_shared>>
    tpu.enqueue_dma source(%arg10 : memref<128x128xf32, #tpu.memory_space<vmem>>) target(%dma_start3A_47 : memref<128x128xf32, #tpu.memory_space<vmem_shared>>) target_semaphore(%arg13 : memref<!tpu.dma_semaphore, #tpu.memory_space<semaphore_mem>>)
    %mul3A_48 = arith.constant 640 : i32
    %mul3A_49 = arith.muli %arg1, %mul3A_48 : i32
    %add3A_50 = arith.constant 0 : i32
    %add3A_51 = arith.addi %mul3A_49, %add3A_50 : i32
    %dma_wait3A = arith.constant 0 : i32
    %dma_wait3A_52 = tpu.memref_slice %arg11[%add3A_51, %dma_wait3A] : memref<10240x128xf32, #tpu.memory_space<vmem_shared>> -> memref<128x128xf32, #tpu.memory_space<vmem_shared>>
    %dma_wait3A_53 = arith.constant 0 : i32
    %dma_wait3A_54 = tpu.memref_slice %arg11[%add3A_51, %dma_wait3A_53] : memref<10240x128xf32, #tpu.memory_space<vmem_shared>> -> memref<128x128xf32, #tpu.memory_space<vmem_shared>>
    tpu.wait_dma2 semaphore(%arg13 : memref<!tpu.dma_semaphore, #tpu.memory_space<semaphore_mem>>) src(%arg10 : memref<128x128xf32, #tpu.memory_space<vmem>>) dst(%dma_wait3A_54 : memref<128x128xf32, #tpu.memory_space<vmem_shared>>)
    %mul3A_55 = arith.constant 640 : i32
    %mul3A_56 = arith.muli %arg1, %mul3A_55 : i32
    %add3A_57 = arith.constant 128 : i32
    %add3A_58 = arith.addi %mul3A_56, %add3A_57 : i32
    %dma_wait3A_59 = arith.constant 0 : i32
    %dma_wait3A_60 = tpu.memref_slice %arg11[%add3A_58, %dma_wait3A_59] : memref<10240x128xf32, #tpu.memory_space<vmem_shared>> -> memref<128x128xf32, #tpu.memory_space<vmem_shared>>
    %dma_wait3A_61 = arith.constant 0 : i32
    %dma_wait3A_62 = tpu.memref_slice %arg11[%add3A_58, %dma_wait3A_61] : memref<10240x128xf32, #tpu.memory_space<vmem_shared>> -> memref<128x128xf32, #tpu.memory_space<vmem_shared>>
    tpu.wait_dma2 semaphore(%arg13 : memref<!tpu.dma_semaphore, #tpu.memory_space<semaphore_mem>>) src(%arg10 : memref<128x128xf32, #tpu.memory_space<vmem>>) dst(%dma_wait3A_62 : memref<128x128xf32, #tpu.memory_space<vmem_shared>>)
    %mul3A_63 = arith.constant 640 : i32
    %mul3A_64 = arith.muli %arg1, %mul3A_63 : i32
    %add3A_65 = arith.constant 256 : i32
    %add3A_66 = arith.addi %mul3A_64, %add3A_65 : i32
    %dma_wait3A_67 = arith.constant 0 : i32
    %dma_wait3A_68 = tpu.memref_slice %arg11[%add3A_66, %dma_wait3A_67] : memref<10240x128xf32, #tpu.memory_space<vmem_shared>> -> memref<128x128xf32, #tpu.memory_space<vmem_shared>>
    %dma_wait3A_69 = arith.constant 0 : i32
    %dma_wait3A_70 = tpu.memref_slice %arg11[%add3A_66, %dma_wait3A_69] : memref<10240x128xf32, #tpu.memory_space<vmem_shared>> -> memref<128x128xf32, #tpu.memory_space<vmem_shared>>
    tpu.wait_dma2 semaphore(%arg13 : memref<!tpu.dma_semaphore, #tpu.memory_space<semaphore_mem>>) src(%arg10 : memref<128x128xf32, #tpu.memory_space<vmem>>) dst(%dma_wait3A_70 : memref<128x128xf32, #tpu.memory_space<vmem_shared>>)
    %mul3A_71 = arith.constant 640 : i32
    %mul3A_72 = arith.muli %arg1, %mul3A_71 : i32
    %add3A_73 = arith.constant 384 : i32
    %add3A_74 = arith.addi %mul3A_72, %add3A_73 : i32
    %dma_wait3A_75 = arith.constant 0 : i32
    %dma_wait3A_76 = tpu.memref_slice %arg11[%add3A_74, %dma_wait3A_75] : memref<10240x128xf32, #tpu.memory_space<vmem_shared>> -> memref<128x128xf32, #tpu.memory_space<vmem_shared>>
    %dma_wait3A_77 = arith.constant 0 : i32
    %dma_wait3A_78 = tpu.memref_slice %arg11[%add3A_74, %dma_wait3A_77] : memref<10240x128xf32, #tpu.memory_space<vmem_shared>> -> memref<128x128xf32, #tpu.memory_space<vmem_shared>>
    tpu.wait_dma2 semaphore(%arg13 : memref<!tpu.dma_semaphore, #tpu.memory_space<semaphore_mem>>) src(%arg10 : memref<128x128xf32, #tpu.memory_space<vmem>>) dst(%dma_wait3A_78 : memref<128x128xf32, #tpu.memory_space<vmem_shared>>)
    %mul3A_79 = arith.constant 640 : i32
    %mul3A_80 = arith.muli %arg1, %mul3A_79 : i32
    %add3A_81 = arith.constant 512 : i32
    %add3A_82 = arith.addi %mul3A_80, %add3A_81 : i32
    %dma_wait3A_83 = arith.constant 0 : i32
    %dma_wait3A_84 = tpu.memref_slice %arg11[%add3A_82, %dma_wait3A_83] : memref<10240x128xf32, #tpu.memory_space<vmem_shared>> -> memref<128x128xf32, #tpu.memory_space<vmem_shared>>
    %dma_wait3A_85 = arith.constant 0 : i32
    %dma_wait3A_86 = tpu.memref_slice %arg11[%add3A_82, %dma_wait3A_85] : memref<10240x128xf32, #tpu.memory_space<vmem_shared>> -> memref<128x128xf32, #tpu.memory_space<vmem_shared>>
    tpu.wait_dma2 semaphore(%arg13 : memref<!tpu.dma_semaphore, #tpu.memory_space<semaphore_mem>>) src(%arg10 : memref<128x128xf32, #tpu.memory_space<vmem>>) dst(%dma_wait3A_86 : memref<128x128xf32, #tpu.memory_space<vmem_shared>>)
    %barrier3A = arith.constant 0 : index
    tpu.barrier barrier_id(%barrier3A)
    %scan3A = arith.constant 0 : i32
    %scan3A_87 = arith.constant 2 : i32
    %scan3A_88 = arith.addi %scan3A, %scan3A_87 : i32
    %scan3A_89 = arith.constant 1 : i32
    scf.for %scan3A_94 = %scan3A to %scan3A_88 step %scan3A_89  : i32 {
      %mul3A_95 = arith.constant 1 : i32
      %mul3A_96 = arith.muli %scan3A_94, %mul3A_95 : i32
      %add3A_97 = arith.constant 0 : i32
      %add3A_98 = arith.addi %add3A_97, %mul3A_96 : i32
      %gt3A = arith.constant 0 : i32
      %gt3A_99 = arith.cmpi sgt, %add3A_98, %gt3A : i32
      %convert_element_type3A = arith.extui %gt3A_99 : i1 to i32
      %cond3A = arith.constant 0 : i32
      %cond3A_100 = arith.cmpi ne, %convert_element_type3A, %cond3A : i32
      scf.if %cond3A_100 {
        "tpu.region"() ({
          %run_scoped3A_136 = tpu.sem_alloc : memref<!tpu.dma_semaphore, #tpu.memory_space<semaphore_mem>>
          %dma_start3A_137 = arith.constant 0 : i32
          %dma_start3A_138 = arith.constant 0 : i32
          %dma_start3A_139 = tpu.memref_slice %arg3[%add3A, %add3A_98, %dma_start3A_137, %dma_start3A_138] : memref<32x2x40x128xi32, #tpu.memory_space<hbm>> -> memref<1x1x40x128xi32, #tpu.memory_space<hbm>>
          %dma_start3A_140 = tpu.memref_squeeze %dma_start3A_139 : memref<1x1x40x128xi32, #tpu.memory_space<hbm>> -> memref<40x128xi32, #tpu.memory_space<hbm>>
          %dma_start3A_141 = arith.constant 0 : i32
          %dma_start3A_142 = arith.constant 0 : i32
          %dma_start3A_143 = tpu.memref_slice %arg3[%add3A, %add3A_98, %dma_start3A_141, %dma_start3A_142] : memref<32x2x40x128xi32, #tpu.memory_space<hbm>> -> memref<1x1x40x128xi32, #tpu.memory_space<hbm>>
          %dma_start3A_144 = tpu.memref_squeeze %dma_start3A_143 : memref<1x1x40x128xi32, #tpu.memory_space<hbm>> -> memref<40x128xi32, #tpu.memory_space<hbm>>
          tpu.enqueue_dma source(%dma_start3A_144 : memref<40x128xi32, #tpu.memory_space<hbm>>) target(%arg7 : memref<40x128xi32, #tpu.memory_space<vmem>>) target_semaphore(%run_scoped3A_136 : memref<!tpu.dma_semaphore, #tpu.memory_space<semaphore_mem>>)
          %dma_wait3A_145 = arith.constant 0 : i32
          %dma_wait3A_146 = arith.constant 0 : i32
          %dma_wait3A_147 = tpu.memref_slice %arg3[%add3A, %add3A_98, %dma_wait3A_145, %dma_wait3A_146] : memref<32x2x40x128xi32, #tpu.memory_space<hbm>> -> memref<1x1x40x128xi32, #tpu.memory_space<hbm>>
          %dma_wait3A_148 = tpu.memref_squeeze %dma_wait3A_147 : memref<1x1x40x128xi32, #tpu.memory_space<hbm>> -> memref<40x128xi32, #tpu.memory_space<hbm>>
          %dma_wait3A_149 = arith.constant 0 : i32
          %dma_wait3A_150 = arith.constant 0 : i32
          %dma_wait3A_151 = tpu.memref_slice %arg3[%add3A, %add3A_98, %dma_wait3A_149, %dma_wait3A_150] : memref<32x2x40x128xi32, #tpu.memory_space<hbm>> -> memref<1x1x40x128xi32, #tpu.memory_space<hbm>>
          %dma_wait3A_152 = tpu.memref_squeeze %dma_wait3A_151 : memref<1x1x40x128xi32, #tpu.memory_space<hbm>> -> memref<40x128xi32, #tpu.memory_space<hbm>>
          tpu.wait_dma2 semaphore(%run_scoped3A_136 : memref<!tpu.dma_semaphore, #tpu.memory_space<semaphore_mem>>) src(%dma_wait3A_152 : memref<40x128xi32, #tpu.memory_space<hbm>>) dst(%arg7 : memref<40x128xi32, #tpu.memory_space<vmem>>)
          tpu.yield
        }) : () -> ()
        "tpu.region"() ({
          %run_scoped3A_136 = tpu.sem_alloc : memref<!tpu.dma_semaphore, #tpu.memory_space<semaphore_mem>>
          %dma_start3A_137 = arith.constant 0 : i32
          %dma_start3A_138 = arith.constant 0 : i32
          %dma_start3A_139 = tpu.memref_slice %arg4[%add3A, %add3A_98, %dma_start3A_137, %dma_start3A_138] : memref<32x2x40x128xi32, #tpu.memory_space<hbm>> -> memref<1x1x40x128xi32, #tpu.memory_space<hbm>>
          %dma_start3A_140 = tpu.memref_squeeze %dma_start3A_139 : memref<1x1x40x128xi32, #tpu.memory_space<hbm>> -> memref<40x128xi32, #tpu.memory_space<hbm>>
          %dma_start3A_141 = arith.constant 0 : i32
          %dma_start3A_142 = arith.constant 0 : i32
          %dma_start3A_143 = tpu.memref_slice %arg4[%add3A, %add3A_98, %dma_start3A_141, %dma_start3A_142] : memref<32x2x40x128xi32, #tpu.memory_space<hbm>> -> memref<1x1x40x128xi32, #tpu.memory_space<hbm>>
          %dma_start3A_144 = tpu.memref_squeeze %dma_start3A_143 : memref<1x1x40x128xi32, #tpu.memory_space<hbm>> -> memref<40x128xi32, #tpu.memory_space<hbm>>
          tpu.enqueue_dma source(%dma_start3A_144 : memref<40x128xi32, #tpu.memory_space<hbm>>) target(%arg8 : memref<40x128xi32, #tpu.memory_space<vmem>>) target_semaphore(%run_scoped3A_136 : memref<!tpu.dma_semaphore, #tpu.memory_space<semaphore_mem>>)
          %dma_wait3A_145 = arith.constant 0 : i32
          %dma_wait3A_146 = arith.constant 0 : i32
          %dma_wait3A_147 = tpu.memref_slice %arg4[%add3A, %add3A_98, %dma_wait3A_145, %dma_wait3A_146] : memref<32x2x40x128xi32, #tpu.memory_space<hbm>> -> memref<1x1x40x128xi32, #tpu.memory_space<hbm>>
          %dma_wait3A_148 = tpu.memref_squeeze %dma_wait3A_147 : memref<1x1x40x128xi32, #tpu.memory_space<hbm>> -> memref<40x128xi32, #tpu.memory_space<hbm>>
          %dma_wait3A_149 = arith.constant 0 : i32
          %dma_wait3A_150 = arith.constant 0 : i32
          %dma_wait3A_151 = tpu.memref_slice %arg4[%add3A, %add3A_98, %dma_wait3A_149, %dma_wait3A_150] : memref<32x2x40x128xi32, #tpu.memory_space<hbm>> -> memref<1x1x40x128xi32, #tpu.memory_space<hbm>>
          %dma_wait3A_152 = tpu.memref_squeeze %dma_wait3A_151 : memref<1x1x40x128xi32, #tpu.memory_space<hbm>> -> memref<40x128xi32, #tpu.memory_space<hbm>>
          tpu.wait_dma2 semaphore(%run_scoped3A_136 : memref<!tpu.dma_semaphore, #tpu.memory_space<semaphore_mem>>) src(%dma_wait3A_152 : memref<40x128xi32, #tpu.memory_space<hbm>>) dst(%arg8 : memref<40x128xi32, #tpu.memory_space<vmem>>)
          tpu.yield
        }) : () -> ()
        %dma_start3A_129 = arith.constant 0 : i32
        %dma_start3A_130 = arith.constant 0 : i32
        %dma_start3A_131 = tpu.memref_slice %arg8[%dma_start3A_129, %dma_start3A_130] : memref<40x128xi32, #tpu.memory_space<vmem>> -> memref<1x128xi32, #tpu.memory_space<vmem>>
        %dma_start3A_132 = tpu.memref_squeeze %dma_start3A_131 : memref<1x128xi32, #tpu.memory_space<vmem>> -> memref<128xi32, #tpu.memory_space<vmem>>
        %dma_start3A_133 = arith.constant 0 : i32
        %dma_start3A_134 = arith.constant 0 : i32
        %dma_start3A_135 = tpu.memref_slice %arg2[%dma_start3A_133, %dma_start3A_134] : memref<10240x128xf32, #tpu.memory_space<hbm>> -> memref<10240x128xf32, #tpu.memory_space<hbm>>
        tpu.enqueue_indirect_dma source(%dma_start3A_135 : memref<10240x128xf32, #tpu.memory_space<hbm>>) target(%arg9 : memref<128x128xf32, #tpu.memory_space<vmem>>) offsets(%dma_start3A_132 : memref<128xi32, #tpu.memory_space<vmem>>) semaphore(%arg12 : memref<!tpu.dma_semaphore, #tpu.memory_space<semaphore_mem>>)
      } else {
      }
      %dma_start3A_101 = arith.constant 1 : i32
      %dma_start3A_102 = arith.constant 0 : i32
      %dma_start3A_103 = tpu.memref_slice %arg8[%dma_start3A_101, %dma_start3A_102] : memref<40x128xi32, #tpu.memory_space<vmem>> -> memref<1x128xi32, #tpu.memory_space<vmem>>
      %dma_start3A_104 = tpu.memref_squeeze %dma_start3A_103 : memref<1x128xi32, #tpu.memory_space<vmem>> -> memref<128xi32, #tpu.memory_space<vmem>>
      %dma_start3A_105 = arith.constant 0 : i32
      %dma_start3A_106 = arith.constant 0 : i32
      %dma_start3A_107 = tpu.memref_slice %arg2[%dma_start3A_105, %dma_start3A_106] : memref<10240x128xf32, #tpu.memory_space<hbm>> -> memref<10240x128xf32, #tpu.memory_space<hbm>>
      tpu.enqueue_indirect_dma source(%dma_start3A_107 : memref<10240x128xf32, #tpu.memory_space<hbm>>) target(%arg10 : memref<128x128xf32, #tpu.memory_space<vmem>>) offsets(%dma_start3A_104 : memref<128xi32, #tpu.memory_space<vmem>>) semaphore(%arg13 : memref<!tpu.dma_semaphore, #tpu.memory_space<semaphore_mem>>)
      %scan3A_108 = arith.constant 0 : i32
      %scan3A_109 = arith.constant 19 : i32
      %scan3A_110 = arith.addi %scan3A_108, %scan3A_109 : i32
      %scan3A_111 = arith.constant 1 : i32
      scf.for %scan3A_129 = %scan3A_108 to %scan3A_110 step %scan3A_111  : i32 {
        %mul3A_130 = arith.constant 2 : i32
        %mul3A_131 = arith.muli %scan3A_129, %mul3A_130 : i32
        %add3A_132 = arith.constant 0 : i32
        %add3A_133 = arith.addi %add3A_132, %mul3A_131 : i32
        %dma_wait3A_134 = arith.constant 0 : i32
        %dma_wait3A_135 = tpu.memref_slice %arg8[%add3A_133, %dma_wait3A_134] : memref<40x128xi32, #tpu.memory_space<vmem>> -> memref<1x128xi32, #tpu.memory_space<vmem>>
        %dma_wait3A_136 = tpu.memref_squeeze %dma_wait3A_135 : memref<1x128xi32, #tpu.memory_space<vmem>> -> memref<128xi32, #tpu.memory_space<vmem>>
        %dma_wait3A_137 = arith.constant 0 : i32
        %dma_wait3A_138 = arith.constant 0 : i32
        %dma_wait3A_139 = tpu.memref_slice %arg2[%dma_wait3A_137, %dma_wait3A_138] : memref<10240x128xf32, #tpu.memory_space<hbm>> -> memref<10240x128xf32, #tpu.memory_space<hbm>>
        tpu.wait_indirect_dma semaphore(%arg12 : memref<!tpu.dma_semaphore, #tpu.memory_space<semaphore_mem>>) src(%dma_wait3A_139 : memref<10240x128xf32, #tpu.memory_space<hbm>>) dst(%arg9 : memref<128x128xf32, #tpu.memory_space<vmem>>)
        "tpu.region"() ({
          %run_scoped3A_166 = tpu.sem_alloc : memref<!tpu.dma_semaphore, #tpu.memory_space<semaphore_mem>>
          %dma_start3A_167 = arith.constant 0 : i32
          %dma_start3A_168 = tpu.memref_slice %arg7[%add3A_133, %dma_start3A_167] : memref<40x128xi32, #tpu.memory_space<vmem>> -> memref<1x128xi32, #tpu.memory_space<vmem>>
          %dma_start3A_169 = tpu.memref_squeeze %dma_start3A_168 : memref<1x128xi32, #tpu.memory_space<vmem>> -> memref<128xi32, #tpu.memory_space<vmem>>
          %dma_start3A_170 = arith.constant 0 : i32
          %dma_start3A_171 = arith.constant 0 : i32
          %dma_start3A_172 = tpu.memref_slice %arg11[%dma_start3A_170, %dma_start3A_171] : memref<10240x128xf32, #tpu.memory_space<vmem_shared>> -> memref<10240x128xf32, #tpu.memory_space<vmem_shared>>
          tpu.enqueue_indirect_dma source(%arg9 : memref<128x128xf32, #tpu.memory_space<vmem>>) target(%dma_start3A_172 : memref<10240x128xf32, #tpu.memory_space<vmem_shared>>) offsets(%dma_start3A_169 : memref<128xi32, #tpu.memory_space<vmem>>) semaphore(%run_scoped3A_166 : memref<!tpu.dma_semaphore, #tpu.memory_space<semaphore_mem>>) {add = true}
          %dma_wait3A_173 = arith.constant 0 : i32
          %dma_wait3A_174 = tpu.memref_slice %arg7[%add3A_133, %dma_wait3A_173] : memref<40x128xi32, #tpu.memory_space<vmem>> -> memref<1x128xi32, #tpu.memory_space<vmem>>
          %dma_wait3A_175 = tpu.memref_squeeze %dma_wait3A_174 : memref<1x128xi32, #tpu.memory_space<vmem>> -> memref<128xi32, #tpu.memory_space<vmem>>
          %dma_wait3A_176 = arith.constant 0 : i32
          %dma_wait3A_177 = arith.constant 0 : i32
          %dma_wait3A_178 = tpu.memref_slice %arg11[%dma_wait3A_176, %dma_wait3A_177] : memref<10240x128xf32, #tpu.memory_space<vmem_shared>> -> memref<10240x128xf32, #tpu.memory_space<vmem_shared>>
          tpu.wait_indirect_dma semaphore(%run_scoped3A_166 : memref<!tpu.dma_semaphore, #tpu.memory_space<semaphore_mem>>) src(%arg9 : memref<128x128xf32, #tpu.memory_space<vmem>>) dst(%dma_wait3A_178 : memref<10240x128xf32, #tpu.memory_space<vmem_shared>>)
          tpu.yield
        }) : () -> ()
        %add3A_140 = arith.constant 2 : i32
        %add3A_141 = arith.addi %add3A_133, %add3A_140 : i32
        %dma_start3A_142 = arith.constant 0 : i32
        %dma_start3A_143 = tpu.memref_slice %arg8[%add3A_141, %dma_start3A_142] : memref<40x128xi32, #tpu.memory_space<vmem>> -> memref<1x128xi32, #tpu.memory_space<vmem>>
        %dma_start3A_144 = tpu.memref_squeeze %dma_start3A_143 : memref<1x128xi32, #tpu.memory_space<vmem>> -> memref<128xi32, #tpu.memory_space<vmem>>
        %dma_start3A_145 = arith.constant 0 : i32
        %dma_start3A_146 = arith.constant 0 : i32
        %dma_start3A_147 = tpu.memref_slice %arg2[%dma_start3A_145, %dma_start3A_146] : memref<10240x128xf32, #tpu.memory_space<hbm>> -> memref<10240x128xf32, #tpu.memory_space<hbm>>
        tpu.enqueue_indirect_dma source(%dma_start3A_147 : memref<10240x128xf32, #tpu.memory_space<hbm>>) target(%arg9 : memref<128x128xf32, #tpu.memory_space<vmem>>) offsets(%dma_start3A_144 : memref<128xi32, #tpu.memory_space<vmem>>) semaphore(%arg12 : memref<!tpu.dma_semaphore, #tpu.memory_space<semaphore_mem>>)
        %add3A_148 = arith.constant 1 : i32
        %add3A_149 = arith.addi %add3A_133, %add3A_148 : i32
        %dma_wait3A_150 = arith.constant 0 : i32
        %dma_wait3A_151 = tpu.memref_slice %arg8[%add3A_149, %dma_wait3A_150] : memref<40x128xi32, #tpu.memory_space<vmem>> -> memref<1x128xi32, #tpu.memory_space<vmem>>
        %dma_wait3A_152 = tpu.memref_squeeze %dma_wait3A_151 : memref<1x128xi32, #tpu.memory_space<vmem>> -> memref<128xi32, #tpu.memory_space<vmem>>
        %dma_wait3A_153 = arith.constant 0 : i32
        %dma_wait3A_154 = arith.constant 0 : i32
        %dma_wait3A_155 = tpu.memref_slice %arg2[%dma_wait3A_153, %dma_wait3A_154] : memref<10240x128xf32, #tpu.memory_space<hbm>> -> memref<10240x128xf32, #tpu.memory_space<hbm>>
        tpu.wait_indirect_dma semaphore(%arg13 : memref<!tpu.dma_semaphore, #tpu.memory_space<semaphore_mem>>) src(%dma_wait3A_155 : memref<10240x128xf32, #tpu.memory_space<hbm>>) dst(%arg10 : memref<128x128xf32, #tpu.memory_space<vmem>>)
        %add3A_156 = arith.constant 1 : i32
        %add3A_157 = arith.addi %add3A_133, %add3A_156 : i32
        "tpu.region"() ({
          %run_scoped3A_166 = tpu.sem_alloc : memref<!tpu.dma_semaphore, #tpu.memory_space<semaphore_mem>>
          %dma_start3A_167 = arith.constant 0 : i32
          %dma_start3A_168 = tpu.memref_slice %arg7[%add3A_157, %dma_start3A_167] : memref<40x128xi32, #tpu.memory_space<vmem>> -> memref<1x128xi32, #tpu.memory_space<vmem>>
          %dma_start3A_169 = tpu.memref_squeeze %dma_start3A_168 : memref<1x128xi32, #tpu.memory_space<vmem>> -> memref<128xi32, #tpu.memory_space<vmem>>
          %dma_start3A_170 = arith.constant 0 : i32
          %dma_start3A_171 = arith.constant 0 : i32
          %dma_start3A_172 = tpu.memref_slice %arg11[%dma_start3A_170, %dma_start3A_171] : memref<10240x128xf32, #tpu.memory_space<vmem_shared>> -> memref<10240x128xf32, #tpu.memory_space<vmem_shared>>
          tpu.enqueue_indirect_dma source(%arg10 : memref<128x128xf32, #tpu.memory_space<vmem>>) target(%dma_start3A_172 : memref<10240x128xf32, #tpu.memory_space<vmem_shared>>) offsets(%dma_start3A_169 : memref<128xi32, #tpu.memory_space<vmem>>) semaphore(%run_scoped3A_166 : memref<!tpu.dma_semaphore, #tpu.memory_space<semaphore_mem>>) {add = true}
          %dma_wait3A_173 = arith.constant 0 : i32
          %dma_wait3A_174 = tpu.memref_slice %arg7[%add3A_157, %dma_wait3A_173] : memref<40x128xi32, #tpu.memory_space<vmem>> -> memref<1x128xi32, #tpu.memory_space<vmem>>
          %dma_wait3A_175 = tpu.memref_squeeze %dma_wait3A_174 : memref<1x128xi32, #tpu.memory_space<vmem>> -> memref<128xi32, #tpu.memory_space<vmem>>
          %dma_wait3A_176 = arith.constant 0 : i32
          %dma_wait3A_177 = arith.constant 0 : i32
          %dma_wait3A_178 = tpu.memref_slice %arg11[%dma_wait3A_176, %dma_wait3A_177] : memref<10240x128xf32, #tpu.memory_space<vmem_shared>> -> memref<10240x128xf32, #tpu.memory_space<vmem_shared>>
          tpu.wait_indirect_dma semaphore(%run_scoped3A_166 : memref<!tpu.dma_semaphore, #tpu.memory_space<semaphore_mem>>) src(%arg10 : memref<128x128xf32, #tpu.memory_space<vmem>>) dst(%dma_wait3A_178 : memref<10240x128xf32, #tpu.memory_space<vmem_shared>>)
          tpu.yield
        }) : () -> ()
        %add3A_158 = arith.constant 3 : i32
        %add3A_159 = arith.addi %add3A_133, %add3A_158 : i32
        %dma_start3A_160 = arith.constant 0 : i32
        %dma_start3A_161 = tpu.memref_slice %arg8[%add3A_159, %dma_start3A_160] : memref<40x128xi32, #tpu.memory_space<vmem>> -> memref<1x128xi32, #tpu.memory_space<vmem>>
        %dma_start3A_162 = tpu.memref_squeeze %dma_start3A_161 : memref<1x128xi32, #tpu.memory_space<vmem>> -> memref<128xi32, #tpu.memory_space<vmem>>
        %dma_start3A_163 = arith.constant 0 : i32
        %dma_start3A_164 = arith.constant 0 : i32
        %dma_start3A_165 = tpu.memref_slice %arg2[%dma_start3A_163, %dma_start3A_164] : memref<10240x128xf32, #tpu.memory_space<hbm>> -> memref<10240x128xf32, #tpu.memory_space<hbm>>
        tpu.enqueue_indirect_dma source(%dma_start3A_165 : memref<10240x128xf32, #tpu.memory_space<hbm>>) target(%arg10 : memref<128x128xf32, #tpu.memory_space<vmem>>) offsets(%dma_start3A_162 : memref<128xi32, #tpu.memory_space<vmem>>) semaphore(%arg13 : memref<!tpu.dma_semaphore, #tpu.memory_space<semaphore_mem>>)
      }
      %scan3A_112 = arith.constant 19 : i32
      %dma_wait3A_113 = arith.constant 38 : i32
      %dma_wait3A_114 = arith.constant 0 : i32
      %dma_wait3A_115 = tpu.memref_slice %arg8[%dma_wait3A_113, %dma_wait3A_114] : memref<40x128xi32, #tpu.memory_space<vmem>> -> memref<1x128xi32, #tpu.memory_space<vmem>>
      %dma_wait3A_116 = tpu.memref_squeeze %dma_wait3A_115 : memref<1x128xi32, #tpu.memory_space<vmem>> -> memref<128xi32, #tpu.memory_space<vmem>>
      %dma_wait3A_117 = arith.constant 0 : i32
      %dma_wait3A_118 = arith.constant 0 : i32
      %dma_wait3A_119 = tpu.memref_slice %arg2[%dma_wait3A_117, %dma_wait3A_118] : memref<10240x128xf32, #tpu.memory_space<hbm>> -> memref<10240x128xf32, #tpu.memory_space<hbm>>
      tpu.wait_indirect_dma semaphore(%arg12 : memref<!tpu.dma_semaphore, #tpu.memory_space<semaphore_mem>>) src(%dma_wait3A_119 : memref<10240x128xf32, #tpu.memory_space<hbm>>) dst(%arg9 : memref<128x128xf32, #tpu.memory_space<vmem>>)
      %run_scoped3A_120 = arith.constant 38 : i32
      "tpu.region"() ({
        %run_scoped3A_129 = tpu.sem_alloc : memref<!tpu.dma_semaphore, #tpu.memory_space<semaphore_mem>>
        %dma_start3A_130 = arith.constant 0 : i32
        %dma_start3A_131 = tpu.memref_slice %arg7[%run_scoped3A_120, %dma_start3A_130] : memref<40x128xi32, #tpu.memory_space<vmem>> -> memref<1x128xi32, #tpu.memory_space<vmem>>
        %dma_start3A_132 = tpu.memref_squeeze %dma_start3A_131 : memref<1x128xi32, #tpu.memory_space<vmem>> -> memref<128xi32, #tpu.memory_space<vmem>>
        %dma_start3A_133 = arith.constant 0 : i32
        %dma_start3A_134 = arith.constant 0 : i32
        %dma_start3A_135 = tpu.memref_slice %arg11[%dma_start3A_133, %dma_start3A_134] : memref<10240x128xf32, #tpu.memory_space<vmem_shared>> -> memref<10240x128xf32, #tpu.memory_space<vmem_shared>>
        tpu.enqueue_indirect_dma source(%arg9 : memref<128x128xf32, #tpu.memory_space<vmem>>) target(%dma_start3A_135 : memref<10240x128xf32, #tpu.memory_space<vmem_shared>>) offsets(%dma_start3A_132 : memref<128xi32, #tpu.memory_space<vmem>>) semaphore(%run_scoped3A_129 : memref<!tpu.dma_semaphore, #tpu.memory_space<semaphore_mem>>) {add = true}
        %dma_wait3A_136 = arith.constant 0 : i32
        %dma_wait3A_137 = tpu.memref_slice %arg7[%run_scoped3A_120, %dma_wait3A_136] : memref<40x128xi32, #tpu.memory_space<vmem>> -> memref<1x128xi32, #tpu.memory_space<vmem>>
        %dma_wait3A_138 = tpu.memref_squeeze %dma_wait3A_137 : memref<1x128xi32, #tpu.memory_space<vmem>> -> memref<128xi32, #tpu.memory_space<vmem>>
        %dma_wait3A_139 = arith.constant 0 : i32
        %dma_wait3A_140 = arith.constant 0 : i32
        %dma_wait3A_141 = tpu.memref_slice %arg11[%dma_wait3A_139, %dma_wait3A_140] : memref<10240x128xf32, #tpu.memory_space<vmem_shared>> -> memref<10240x128xf32, #tpu.memory_space<vmem_shared>>
        tpu.wait_indirect_dma semaphore(%run_scoped3A_129 : memref<!tpu.dma_semaphore, #tpu.memory_space<semaphore_mem>>) src(%arg9 : memref<128x128xf32, #tpu.memory_space<vmem>>) dst(%dma_wait3A_141 : memref<10240x128xf32, #tpu.memory_space<vmem_shared>>)
        tpu.yield
      }) : () -> ()
      %dma_wait3A_121 = arith.constant 39 : i32
      %dma_wait3A_122 = arith.constant 0 : i32
      %dma_wait3A_123 = tpu.memref_slice %arg8[%dma_wait3A_121, %dma_wait3A_122] : memref<40x128xi32, #tpu.memory_space<vmem>> -> memref<1x128xi32, #tpu.memory_space<vmem>>
      %dma_wait3A_124 = tpu.memref_squeeze %dma_wait3A_123 : memref<1x128xi32, #tpu.memory_space<vmem>> -> memref<128xi32, #tpu.memory_space<vmem>>
      %dma_wait3A_125 = arith.constant 0 : i32
      %dma_wait3A_126 = arith.constant 0 : i32
      %dma_wait3A_127 = tpu.memref_slice %arg2[%dma_wait3A_125, %dma_wait3A_126] : memref<10240x128xf32, #tpu.memory_space<hbm>> -> memref<10240x128xf32, #tpu.memory_space<hbm>>
      tpu.wait_indirect_dma semaphore(%arg13 : memref<!tpu.dma_semaphore, #tpu.memory_space<semaphore_mem>>) src(%dma_wait3A_127 : memref<10240x128xf32, #tpu.memory_space<hbm>>) dst(%arg10 : memref<128x128xf32, #tpu.memory_space<vmem>>)
      %run_scoped3A_128 = arith.constant 39 : i32
      "tpu.region"() ({
        %run_scoped3A_129 = tpu.sem_alloc : memref<!tpu.dma_semaphore, #tpu.memory_space<semaphore_mem>>
        %dma_start3A_130 = arith.constant 0 : i32
        %dma_start3A_131 = tpu.memref_slice %arg7[%run_scoped3A_128, %dma_start3A_130] : memref<40x128xi32, #tpu.memory_space<vmem>> -> memref<1x128xi32, #tpu.memory_space<vmem>>
        %dma_start3A_132 = tpu.memref_squeeze %dma_start3A_131 : memref<1x128xi32, #tpu.memory_space<vmem>> -> memref<128xi32, #tpu.memory_space<vmem>>
        %dma_start3A_133 = arith.constant 0 : i32
        %dma_start3A_134 = arith.constant 0 : i32
        %dma_start3A_135 = tpu.memref_slice %arg11[%dma_start3A_133, %dma_start3A_134] : memref<10240x128xf32, #tpu.memory_space<vmem_shared>> -> memref<10240x128xf32, #tpu.memory_space<vmem_shared>>
        tpu.enqueue_indirect_dma source(%arg10 : memref<128x128xf32, #tpu.memory_space<vmem>>) target(%dma_start3A_135 : memref<10240x128xf32, #tpu.memory_space<vmem_shared>>) offsets(%dma_start3A_132 : memref<128xi32, #tpu.memory_space<vmem>>) semaphore(%run_scoped3A_129 : memref<!tpu.dma_semaphore, #tpu.memory_space<semaphore_mem>>) {add = true}
        %dma_wait3A_136 = arith.constant 0 : i32
        %dma_wait3A_137 = tpu.memref_slice %arg7[%run_scoped3A_128, %dma_wait3A_136] : memref<40x128xi32, #tpu.memory_space<vmem>> -> memref<1x128xi32, #tpu.memory_space<vmem>>
        %dma_wait3A_138 = tpu.memref_squeeze %dma_wait3A_137 : memref<1x128xi32, #tpu.memory_space<vmem>> -> memref<128xi32, #tpu.memory_space<vmem>>
        %dma_wait3A_139 = arith.constant 0 : i32
        %dma_wait3A_140 = arith.constant 0 : i32
        %dma_wait3A_141 = tpu.memref_slice %arg11[%dma_wait3A_139, %dma_wait3A_140] : memref<10240x128xf32, #tpu.memory_space<vmem_shared>> -> memref<10240x128xf32, #tpu.memory_space<vmem_shared>>
        tpu.wait_indirect_dma semaphore(%run_scoped3A_129 : memref<!tpu.dma_semaphore, #tpu.memory_space<semaphore_mem>>) src(%arg10 : memref<128x128xf32, #tpu.memory_space<vmem>>) dst(%dma_wait3A_141 : memref<10240x128xf32, #tpu.memory_space<vmem_shared>>)
        tpu.yield
      }) : () -> ()
    }
    %scan3A_90 = arith.constant 2 : i32
    %barrier3A_91 = arith.constant 0 : index
    tpu.barrier barrier_id(%barrier3A_91)
    %mul3A_92 = arith.constant 640 : i32
    %mul3A_93 = arith.muli %arg1, %mul3A_92 : i32
    "tpu.region"() ({
      %run_scoped3A_94 = tpu.sem_alloc : memref<!tpu.dma_semaphore, #tpu.memory_space<semaphore_mem>>
      %dma_start3A_95 = arith.constant 0 : i32
      %dma_start3A_96 = arith.constant 0 : i32
      %dma_start3A_97 = tpu.memref_slice %arg6[%add3A, %dma_start3A_95, %dma_start3A_96] : memref<32x640x128xf32, #tpu.memory_space<hbm>> -> memref<1x640x128xf32, #tpu.memory_space<hbm>>
      %dma_start3A_98 = tpu.memref_squeeze %dma_start3A_97 : memref<1x640x128xf32, #tpu.memory_space<hbm>> -> memref<640x128xf32, #tpu.memory_space<hbm>>
      %dma_start3A_99 = arith.constant 0 : i32
      %dma_start3A_100 = tpu.memref_slice %arg11[%mul3A_93, %dma_start3A_99] : memref<10240x128xf32, #tpu.memory_space<vmem_shared>> -> memref<640x128xf32, #tpu.memory_space<vmem_shared>>
      tpu.enqueue_dma source(%dma_start3A_100 : memref<640x128xf32, #tpu.memory_space<vmem_shared>>) target(%dma_start3A_98 : memref<640x128xf32, #tpu.memory_space<hbm>>) target_semaphore(%run_scoped3A_94 : memref<!tpu.dma_semaphore, #tpu.memory_space<semaphore_mem>>)
      %dma_wait3A_101 = arith.constant 0 : i32
      %dma_wait3A_102 = arith.constant 0 : i32
      %dma_wait3A_103 = tpu.memref_slice %arg6[%add3A, %dma_wait3A_101, %dma_wait3A_102] : memref<32x640x128xf32, #tpu.memory_space<hbm>> -> memref<1x640x128xf32, #tpu.memory_space<hbm>>
      %dma_wait3A_104 = tpu.memref_squeeze %dma_wait3A_103 : memref<1x640x128xf32, #tpu.memory_space<hbm>> -> memref<640x128xf32, #tpu.memory_space<hbm>>
      %dma_wait3A_105 = arith.constant 0 : i32
      %dma_wait3A_106 = tpu.memref_slice %arg11[%mul3A_93, %dma_wait3A_105] : memref<10240x128xf32, #tpu.memory_space<vmem_shared>> -> memref<640x128xf32, #tpu.memory_space<vmem_shared>>
      tpu.wait_dma2 semaphore(%run_scoped3A_94 : memref<!tpu.dma_semaphore, #tpu.memory_space<semaphore_mem>>) src(%dma_wait3A_106 : memref<640x128xf32, #tpu.memory_space<vmem_shared>>) dst(%dma_wait3A_104 : memref<640x128xf32, #tpu.memory_space<hbm>>)
      tpu.yield
    }) : () -> ()
    return
  }
}

module attributes {stable_mosaic.version = 14 : i64} {
  func.func @_tc_layer_body(%arg0: i32, %arg1: memref<8x640x128xf32, #tpu.memory_space<vmem>>, %arg2: memref<8x640x128xf32, #tpu.memory_space<vmem>>, %arg3: memref<5120x128xf32, #tpu.memory_space<vmem>>, %arg4: memref<128x128xf32, #tpu.memory_space<vmem>>, %arg5: memref<128x128xf32, #tpu.memory_space<vmem>>, %arg6: memref<128x128xf32, #tpu.memory_space<vmem>>, %arg7: memref<1x128xf32, #tpu.memory_space<vmem>>, %arg8: memref<5120x128xf32, #tpu.memory_space<vmem>>) attributes {dimension_semantics = [#tpu.dimension_semantics<arbitrary>], iteration_bounds = array<i64: 2>, scalar_prefetch = 0 : i64, scratch_operands = 0 : i64, tpu.core_type = #tpu.core_type<tc>, window_params = [{transform_indices = @transform_0, window_bounds = array<i64: 8, 640, 128>}, {transform_indices = @transform_1, window_bounds = array<i64: 8, 640, 128>}, {transform_indices = @transform_2, window_bounds = array<i64: 5120, 128>}, {pipeline_mode = #tpu.pipeline_mode<synchronous>, transform_indices = @transform_3, window_bounds = array<i64: 128, 128>}, {pipeline_mode = #tpu.pipeline_mode<synchronous>, transform_indices = @transform_4, window_bounds = array<i64: 128, 128>}, {pipeline_mode = #tpu.pipeline_mode<synchronous>, transform_indices = @transform_5, window_bounds = array<i64: 128, 128>}, {pipeline_mode = #tpu.pipeline_mode<synchronous>, transform_indices = @transform_6, window_bounds = array<i64: 1, 128>}, {transform_indices = @transform_7, window_bounds = array<i64: 5120, 128>}]} {
    %get3A = arith.constant 0 : index
    %get3A_0 = arith.constant 0 : index
    %get3A_1 = arith.constant 0 : index
    %get3A_2 = vector.load %arg1[%get3A, %get3A_0, %get3A_1] : memref<8x640x128xf32, #tpu.memory_space<vmem>>, vector<8x640x128xf32>
    %get3A_3 = arith.constant 0 : index
    %get3A_4 = arith.constant 0 : index
    %get3A_5 = arith.constant 0 : index
    %get3A_6 = vector.load %arg2[%get3A_3, %get3A_4, %get3A_5] : memref<8x640x128xf32, #tpu.memory_space<vmem>>, vector<8x640x128xf32>
    %add3A = arith.addf %get3A_2, %get3A_6 : vector<8x640x128xf32>
    %reshape3A = vector.shape_cast %add3A : vector<8x640x128xf32> to vector<5120x128xf32>
    %get3A_7 = arith.constant 0 : index
    %get3A_8 = arith.constant 0 : index
    %get3A_9 = vector.load %arg4[%get3A_7, %get3A_8] : memref<128x128xf32, #tpu.memory_space<vmem>>, vector<128x128xf32>
    %dot_general3A = arith.constant dense<0.000000e+00> : vector<5120x128xf32>
    %dot_general3A_10 = tpu.matmul %reshape3A, %get3A_9, %dot_general3A {dimension_numbers = #tpu.dot_dimension_numbers<[1], [0], [0], [1], [0, 0, 1, 1], [], []>, transpose_lhs_hint = false} : vector<5120x128xf32>, vector<128x128xf32>, vector<5120x128xf32> -> vector<5120x128xf32>
    %get3A_11 = arith.constant 0 : index
    %get3A_12 = arith.constant 0 : index
    %get3A_13 = vector.load %arg3[%get3A_11, %get3A_12] : memref<5120x128xf32, #tpu.memory_space<vmem>>, vector<5120x128xf32>
    %get3A_14 = arith.constant 0 : index
    %get3A_15 = arith.constant 0 : index
    %get3A_16 = vector.load %arg5[%get3A_14, %get3A_15] : memref<128x128xf32, #tpu.memory_space<vmem>>, vector<128x128xf32>
    %get3A_17 = arith.constant 0 : index
    %get3A_18 = arith.constant 0 : index
    %get3A_19 = vector.load %arg6[%get3A_17, %get3A_18] : memref<128x128xf32, #tpu.memory_space<vmem>>, vector<128x128xf32>
    %add3A_20 = arith.addf %get3A_16, %get3A_19 : vector<128x128xf32>
    %dot_general3A_21 = arith.constant dense<0.000000e+00> : vector<5120x128xf32>
    %dot_general3A_22 = tpu.matmul %get3A_13, %add3A_20, %dot_general3A_21 {dimension_numbers = #tpu.dot_dimension_numbers<[1], [0], [0], [1], [0, 0, 1, 1], [], []>, transpose_lhs_hint = false} : vector<5120x128xf32>, vector<128x128xf32>, vector<5120x128xf32> -> vector<5120x128xf32>
    %add3A_23 = arith.addf %dot_general3A_10, %dot_general3A_22 : vector<5120x128xf32>
    %get3A_24 = arith.constant 0 : index
    %get3A_25 = arith.constant 0 : index
    %get3A_26 = vector.load %arg7[%get3A_24, %get3A_25] : memref<1x128xf32, #tpu.memory_space<vmem>>, vector<1x128xf32>
    %add3A_27 = vector.broadcast %get3A_26 : vector<1x128xf32> to vector<5120x128xf32>
    %add3A_28 = arith.addf %add3A_23, %add3A_27 : vector<5120x128xf32>
    %max3A = arith.constant 0.000000e+00 : f32
    %max3A_29 = vector.broadcast %max3A : f32 to vector<5120x128xf32>
    %max3A_30 = arith.maximumf %add3A_28, %max3A_29 : vector<5120x128xf32>
    %swap3A = arith.constant 0 : index
    %swap3A_31 = arith.constant 0 : index
    %swap3A_32 = vector.load %arg8[%swap3A, %swap3A_31] : memref<5120x128xf32, #tpu.memory_space<vmem>>, vector<5120x128xf32>
    tpu.vector_store %arg8[%swap3A, %swap3A_31], %max3A_30 {strides = array<i32>} : memref<5120x128xf32, #tpu.memory_space<vmem>>, vector<5120x128xf32>,
    return
  }
  func.func @transform_0(%arg0: i32) -> (i32, i32, i32) {
    %c0_i32 = arith.constant 0 : i32
    %c0_i32_0 = arith.constant 0 : i32
    %c0_i32_1 = arith.constant 0 : i32
    return %arg0, %c0_i32, %c0_i32_0 : i32, i32, i32
  }
  func.func @transform_1(%arg0: i32) -> (i32, i32, i32) {
    %add3A = arith.constant 2 : i32
    %add3A_0 = arith.addi %arg0, %add3A : i32
    %c0_i32 = arith.constant 0 : i32
    %c0_i32_1 = arith.constant 0 : i32
    %c0_i32_2 = arith.constant 0 : i32
    return %add3A_0, %c0_i32, %c0_i32_1 : i32, i32, i32
  }
  func.func @transform_2(%arg0: i32) -> (i32, i32) {
    %c0_i32 = arith.constant 0 : i32
    %c0_i32_0 = arith.constant 0 : i32
    return %arg0, %c0_i32 : i32, i32
  }
  func.func @transform_3(%arg0: i32) -> (i32, i32) {
    %c0_i32 = arith.constant 0 : i32
    %c0_i32_0 = arith.constant 0 : i32
    %c0_i32_1 = arith.constant 0 : i32
    return %c0_i32, %c0_i32_0 : i32, i32
  }
  func.func @transform_4(%arg0: i32) -> (i32, i32) {
    %c0_i32 = arith.constant 0 : i32
    %c0_i32_0 = arith.constant 0 : i32
    %c0_i32_1 = arith.constant 0 : i32
    return %c0_i32, %c0_i32_0 : i32, i32
  }
  func.func @transform_5(%arg0: i32) -> (i32, i32) {
    %c0_i32 = arith.constant 0 : i32
    %c0_i32_0 = arith.constant 0 : i32
    %c0_i32_1 = arith.constant 0 : i32
    return %c0_i32, %c0_i32_0 : i32, i32
  }
  func.func @transform_6(%arg0: i32) -> (i32, i32) {
    %c0_i32 = arith.constant 0 : i32
    %c0_i32_0 = arith.constant 0 : i32
    %c0_i32_1 = arith.constant 0 : i32
    return %c0_i32, %c0_i32_0 : i32, i32
  }
  func.func @transform_7(%arg0: i32) -> (i32, i32) {
    %c0_i32 = arith.constant 0 : i32
    %c0_i32_0 = arith.constant 0 : i32
    return %arg0, %c0_i32 : i32, i32
  }
}

module attributes {stable_mosaic.version = 14 : i64} {
  func.func @_tc_final_body(%arg0: i32, %arg1: memref<8x640x128xf32, #tpu.memory_space<vmem>>, %arg2: memref<8x640x128xf32, #tpu.memory_space<vmem>>, %arg3: memref<5120x128xf32, #tpu.memory_space<vmem>>, %arg4: memref<128x128xf32, #tpu.memory_space<vmem>>, %arg5: memref<128x128xf32, #tpu.memory_space<vmem>>, %arg6: memref<128x128xf32, #tpu.memory_space<vmem>>, %arg7: memref<1x128xf32, #tpu.memory_space<vmem>>, %arg8: memref<128x128xf32, #tpu.memory_space<vmem>>, %arg9: memref<1x128xf32, #tpu.memory_space<vmem>>, %arg10: memref<5120x128xf32, #tpu.memory_space<vmem>>) attributes {dimension_semantics = [#tpu.dimension_semantics<arbitrary>], iteration_bounds = array<i64: 2>, scalar_prefetch = 0 : i64, scratch_operands = 0 : i64, tpu.core_type = #tpu.core_type<tc>, window_params = [{transform_indices = @transform_0, window_bounds = array<i64: 8, 640, 128>}, {transform_indices = @transform_1, window_bounds = array<i64: 8, 640, 128>}, {transform_indices = @transform_2, window_bounds = array<i64: 5120, 128>}, {pipeline_mode = #tpu.pipeline_mode<synchronous>, transform_indices = @transform_3, window_bounds = array<i64: 128, 128>}, {pipeline_mode = #tpu.pipeline_mode<synchronous>, transform_indices = @transform_4, window_bounds = array<i64: 128, 128>}, {pipeline_mode = #tpu.pipeline_mode<synchronous>, transform_indices = @transform_5, window_bounds = array<i64: 128, 128>}, {pipeline_mode = #tpu.pipeline_mode<synchronous>, transform_indices = @transform_6, window_bounds = array<i64: 1, 128>}, {pipeline_mode = #tpu.pipeline_mode<synchronous>, transform_indices = @transform_7, window_bounds = array<i64: 128, 128>}, {pipeline_mode = #tpu.pipeline_mode<synchronous>, transform_indices = @transform_8, window_bounds = array<i64: 1, 128>}, {transform_indices = @transform_9, window_bounds = array<i64: 5120, 128>}]} {
    %get3A = arith.constant 0 : index
    %get3A_0 = arith.constant 0 : index
    %get3A_1 = arith.constant 0 : index
    %get3A_2 = vector.load %arg1[%get3A, %get3A_0, %get3A_1] : memref<8x640x128xf32, #tpu.memory_space<vmem>>, vector<8x640x128xf32>
    %get3A_3 = arith.constant 0 : index
    %get3A_4 = arith.constant 0 : index
    %get3A_5 = arith.constant 0 : index
    %get3A_6 = vector.load %arg2[%get3A_3, %get3A_4, %get3A_5] : memref<8x640x128xf32, #tpu.memory_space<vmem>>, vector<8x640x128xf32>
    %add3A = arith.addf %get3A_2, %get3A_6 : vector<8x640x128xf32>
    %reshape3A = vector.shape_cast %add3A : vector<8x640x128xf32> to vector<5120x128xf32>
    %get3A_7 = arith.constant 0 : index
    %get3A_8 = arith.constant 0 : index
    %get3A_9 = vector.load %arg4[%get3A_7, %get3A_8] : memref<128x128xf32, #tpu.memory_space<vmem>>, vector<128x128xf32>
    %dot_general3A = arith.constant dense<0.000000e+00> : vector<5120x128xf32>
    %dot_general3A_10 = tpu.matmul %reshape3A, %get3A_9, %dot_general3A {dimension_numbers = #tpu.dot_dimension_numbers<[1], [0], [0], [1], [0, 0, 1, 1], [], []>, transpose_lhs_hint = false} : vector<5120x128xf32>, vector<128x128xf32>, vector<5120x128xf32> -> vector<5120x128xf32>
    %get3A_11 = arith.constant 0 : index
    %get3A_12 = arith.constant 0 : index
    %get3A_13 = vector.load %arg3[%get3A_11, %get3A_12] : memref<5120x128xf32, #tpu.memory_space<vmem>>, vector<5120x128xf32>
    %get3A_14 = arith.constant 0 : index
    %get3A_15 = arith.constant 0 : index
    %get3A_16 = vector.load %arg5[%get3A_14, %get3A_15] : memref<128x128xf32, #tpu.memory_space<vmem>>, vector<128x128xf32>
    %get3A_17 = arith.constant 0 : index
    %get3A_18 = arith.constant 0 : index
    %get3A_19 = vector.load %arg6[%get3A_17, %get3A_18] : memref<128x128xf32, #tpu.memory_space<vmem>>, vector<128x128xf32>
    %add3A_20 = arith.addf %get3A_16, %get3A_19 : vector<128x128xf32>
    %dot_general3A_21 = arith.constant dense<0.000000e+00> : vector<5120x128xf32>
    %dot_general3A_22 = tpu.matmul %get3A_13, %add3A_20, %dot_general3A_21 {dimension_numbers = #tpu.dot_dimension_numbers<[1], [0], [0], [1], [0, 0, 1, 1], [], []>, transpose_lhs_hint = false} : vector<5120x128xf32>, vector<128x128xf32>, vector<5120x128xf32> -> vector<5120x128xf32>
    %add3A_23 = arith.addf %dot_general3A_10, %dot_general3A_22 : vector<5120x128xf32>
    %get3A_24 = arith.constant 0 : index
    %get3A_25 = arith.constant 0 : index
    %get3A_26 = vector.load %arg7[%get3A_24, %get3A_25] : memref<1x128xf32, #tpu.memory_space<vmem>>, vector<1x128xf32>
    %add3A_27 = vector.broadcast %get3A_26 : vector<1x128xf32> to vector<5120x128xf32>
    %add3A_28 = arith.addf %add3A_23, %add3A_27 : vector<5120x128xf32>
    %max3A = arith.constant 0.000000e+00 : f32
    %max3A_29 = vector.broadcast %max3A : f32 to vector<5120x128xf32>
    %max3A_30 = arith.maximumf %add3A_28, %max3A_29 : vector<5120x128xf32>
    %get3A_31 = arith.constant 0 : index
    %get3A_32 = arith.constant 0 : index
    %get3A_33 = vector.load %arg8[%get3A_31, %get3A_32] : memref<128x128xf32, #tpu.memory_space<vmem>>, vector<128x128xf32>
    %dot_general3A_34 = arith.constant dense<0.000000e+00> : vector<5120x128xf32>
    %dot_general3A_35 = tpu.matmul %max3A_30, %get3A_33, %dot_general3A_34 {dimension_numbers = #tpu.dot_dimension_numbers<[1], [0], [0], [1], [0, 0, 1, 1], [], []>, transpose_lhs_hint = false} : vector<5120x128xf32>, vector<128x128xf32>, vector<5120x128xf32> -> vector<5120x128xf32>
    %get3A_36 = arith.constant 0 : index
    %get3A_37 = arith.constant 0 : index
    %get3A_38 = vector.load %arg9[%get3A_36, %get3A_37] : memref<1x128xf32, #tpu.memory_space<vmem>>, vector<1x128xf32>
    %add3A_39 = vector.broadcast %get3A_38 : vector<1x128xf32> to vector<5120x128xf32>
    %add3A_40 = arith.addf %dot_general3A_35, %add3A_39 : vector<5120x128xf32>
    %swap3A = arith.constant 0 : index
    %swap3A_41 = arith.constant 0 : index
    %swap3A_42 = vector.load %arg10[%swap3A, %swap3A_41] : memref<5120x128xf32, #tpu.memory_space<vmem>>, vector<5120x128xf32>
    tpu.vector_store %arg10[%swap3A, %swap3A_41], %add3A_40 {strides = array<i32>} : memref<5120x128xf32, #tpu.memory_space<vmem>>, vector<5120x128xf32>,
    return
  }
  func.func @transform_0(%arg0: i32) -> (i32, i32, i32) {
    %c0_i32 = arith.constant 0 : i32
    %c0_i32_0 = arith.constant 0 : i32
    %c0_i32_1 = arith.constant 0 : i32
    return %arg0, %c0_i32, %c0_i32_0 : i32, i32, i32
  }
  func.func @transform_1(%arg0: i32) -> (i32, i32, i32) {
    %add3A = arith.constant 2 : i32
    %add3A_0 = arith.addi %arg0, %add3A : i32
    %c0_i32 = arith.constant 0 : i32
    %c0_i32_1 = arith.constant 0 : i32
    %c0_i32_2 = arith.constant 0 : i32
    return %add3A_0, %c0_i32, %c0_i32_1 : i32, i32, i32
  }
  func.func @transform_2(%arg0: i32) -> (i32, i32) {
    %c0_i32 = arith.constant 0 : i32
    %c0_i32_0 = arith.constant 0 : i32
    return %arg0, %c0_i32 : i32, i32
  }
  func.func @transform_3(%arg0: i32) -> (i32, i32) {
    %c0_i32 = arith.constant 0 : i32
    %c0_i32_0 = arith.constant 0 : i32
    %c0_i32_1 = arith.constant 0 : i32
    return %c0_i32, %c0_i32_0 : i32, i32
  }
  func.func @transform_4(%arg0: i32) -> (i32, i32) {
    %c0_i32 = arith.constant 0 : i32
    %c0_i32_0 = arith.constant 0 : i32
    %c0_i32_1 = arith.constant 0 : i32
    return %c0_i32, %c0_i32_0 : i32, i32
  }
  func.func @transform_5(%arg0: i32) -> (i32, i32) {
    %c0_i32 = arith.constant 0 : i32
    %c0_i32_0 = arith.constant 0 : i32
    %c0_i32_1 = arith.constant 0 : i32
    return %c0_i32, %c0_i32_0 : i32, i32
  }
  func.func @transform_6(%arg0: i32) -> (i32, i32) {
    %c0_i32 = arith.constant 0 : i32
    %c0_i32_0 = arith.constant 0 : i32
    %c0_i32_1 = arith.constant 0 : i32
    return %c0_i32, %c0_i32_0 : i32, i32
  }
  func.func @transform_7(%arg0: i32) -> (i32, i32) {
    %c0_i32 = arith.constant 0 : i32
    %c0_i32_0 = arith.constant 0 : i32
    %c0_i32_1 = arith.constant 0 : i32
    return %c0_i32, %c0_i32_0 : i32, i32
  }
  func.func @transform_8(%arg0: i32) -> (i32, i32) {
    %c0_i32 = arith.constant 0 : i32
    %c0_i32_0 = arith.constant 0 : i32
    %c0_i32_1 = arith.constant 0 : i32
    return %c0_i32, %c0_i32_0 : i32, i32
  }
  func.func @transform_9(%arg0: i32) -> (i32, i32) {
    %c0_i32 = arith.constant 0 : i32
    %c0_i32_0 = arith.constant 0 : i32
    return %arg0, %c0_i32 : i32, i32
  }
}

</mosaic_0001>

<sc_bundles>
// kernel: sc_edge_aggr.4.cloned.1.call-start
scs
__scs_entry_jumppad:
0x0: {  	(pc) =	sbr.rel $0x88, $3  }
0x1: {  	(tag) =	ssettag $0x0;
	lr =	simm.s32 $0x1  }
0x2: {  	[smem:$0x3F90] =	sst lr;
	_ =	strace $0xD0000000  }
0x3: {  	_ = 	snop  }
0x4: {  	_ = 	snop  }
0x5: {  	_ = 	snop  }
0x6: {  	_ = 	snop  }
0x7: {  	_ = 	snop  }
__scs_overlays_trampoline_lowered:
0x8: {  	[smem:$0x3F9F] =	sst s0  }
0x9: {  	[smem:$0x3FA0] =	sst s1  }
0xa: {  	[smem:$0x3FA1] =	sst s2  }
0xb: {  	[smem:$0x3FA2] =	sst s3  }
0xc: {  	[smem:$0x3FA3] =	sst s4  }
0xd: {  	[smem:$0x3FA4] =	sst s5  }
0xe: {  	[smem:$0x3FA5] =	sst s6  }
0xf: {  	[smem:$0x3FA6] =	sst s7  }
0x10: {  	[smem:$0x3FA7] =	sst s8  }
0x11: {  	[smem:$0x3FA8] =	sst s9;
	s0 =	simm.s32 @!p0 $0x0  }
0x12: {  	s1 =	sld [smem:$0x3F8E];
	s0 =	simm.s32 @p0 $0x1  }
0x13: {  	[smem:$0x3FA9] =	sst s0;
	s0 =	simm.s32 @!p1 $0x0  }
0x14: {  	s2 =	sld [smem:$0x3F8D];
	s0 =	simm.s32 @p1 $0x1  }
0x15: {  	[smem:$0x3FAA] =	sst s0;
	s0 =	simm.s32 @!p2 $0x0  }
0x16: {  	s3 =	sld [smem:$0x3FDB];
	s0 =	simm.s32 @p2 $0x1  }
0x17: {  	s4 =	simm.s32 $0x1BF5;
	[smem:$0x3FAC] =	sst s0  }
0x18: {  	s0 =	sld [smem:$0x3F8F];
	_ =	swait.ge [sflag:s4], $0x0  }
0x19: {  	s7 =	sld [smem:$0x3F90]  }
0x1a: {  	s8 =	sadd.s32 $0xFFFFE003, lr  }
0x1b: {  	s9 =	sadd.s32 $0xFFFFFEF7, lr;
	s5 =	simm.s32 $0xFFFFFFFF;
	p2 =	slt.u32 s8, $0xFFFFF086  }
0x1c: {  	p1 =	slt.u32 s9, $0xF7A;
	s5 =	simm.s32 @!p2 $0x0  }
0x1d: {  	s5 =	simm.s32 @p1 $0x1;
	p0 =	seq.s32 s7, s2  }
0x1e: {  	s7 =	smul.u32 @!p0 $0xF7A, s2;
	p2 =	seq.s32 @!p0 s5, $0x0  }
0x1f: {  	s9 =	smul.u32 $0xF7A, s1;
	s8 =	simm.s32 @!p0 $0x1BF5;
	p2 =	por !p2, p0  }
0x20: {  	[sflag:s8] =	ssyncset.s32 @!p0 $0xFFFFF086;
	s6 =	sadd.s32 @!p0 s3, s7;
	s7 =	simm.s32 @!p0 $0x108  }
0x21: {  	s3 =	sadd.s32 s3, s9;
	s6 =	sadd.s32 @!p0 $0x88, s6;
	s7 =	simm.s32 @p2 $0x1082  }
0x22: {  	[simem:s7], [sflag:s8] =	dma.local @!p0 [hbm:s6], $0xF7A  }
0x23: {  	s9 =	sor.u32 $0xD0000000, s2;
	s6 =	simm.s32 $0x108;
	_ =	swait.ge @!p0 [sflag:s8], $0x0  }
0x24: {  	s3 =	sadd.s32 $0x88, s3;
	s6 =	simm.s32 @!p1 $0x1082;
	[sflag:s4] =	ssyncset.s32 $0xFFFFF086  }
0x25: {  	[simem:s6], [sflag:s4] =	dma.local [hbm:s3], $0xF7A  }
0x26: {  	[smem:$0x3F90] =	sst s1;
	(tag) =	ssettag s2;
	_ =	strace s9  }
0x27: {  	s1 =	sld [smem:$0x3FA0]  }
0x28: {  	s2 =	sld [smem:$0x3FA1]  }
0x29: {  	s4 =	sld [smem:$0x3FA3]  }
0x2a: {  	p0 =	seq.s32 s5, $0x0;
	s5 =	sld [smem:$0x3FA4]  }
0x2b: {  	s6 =	sld [smem:$0x3FA5]  }
0x2c: {  	s7 =	sld [smem:$0x3FA6]  }
0x2d: {  	s3 =	simm.s32 $0x108;
	s8 =	sld [smem:$0x3FA7]  }
0x2e: {  	s3 =	simm.s32 @!p0 $0x1082;
	s9 =	sld [smem:$0x3FA8]  }
0x2f: {  	lr =	sadd.s32 s0, s3;
	s0 =	sld [smem:$0x3F9F]  }
0x30: {  	s3 =	sld [smem:$0x3FA2]  }
0x31: {  	[smem:$0x3FAB] =	sst s10  }
0x32: {  	s10 =	sld [smem:$0x3FA9];
	_ =	sdelay $0x3  }
0x33: {  	p0 =	seq.s32 s10, $0x1;
	s10 =	sld [smem:$0x3FAB];
	_ =	sdelay $0x3  }
0x34: {  	[smem:$0x3FAB] =	sst s10  }
0x35: {  	s10 =	sld [smem:$0x3FAA];
	_ =	sdelay $0x3  }
0x36: {  	p1 =	seq.s32 s10, $0x1;
	s10 =	sld [smem:$0x3FAB];
	_ =	sdelay $0x3  }
0x37: {  	[smem:$0x3FAB] =	sst s10  }
0x38: {  	s10 =	sld [smem:$0x3FAC]  }
0x39: {  	_ = 	snop;
	(pc) =	sbr.ind lr, $3  }
0x3a: {  	_ = 	snop  }
0x3b: {  	_ = 	snop  }
0x3c: {  	p2 =	seq.s32 s10, $0x1;
	s10 =	sld [smem:$0x3FAB]  }
0x3d: {  	_ =	shalt  }
0x3e: {  	_ =	shalt  }
0x3f: {  	_ =	shalt  }
0x40: {  	_ =	shalt  }
0x41: {  	_ =	shalt  }
0x42: {  	_ =	shalt  }
0x43: {  	_ =	shalt  }
0x44: {  	_ =	shalt  }
0x45: {  	_ =	shalt  }
0x46: {  	_ =	shalt  }
0x47: {  	_ =	shalt  }
0x48: {  	_ =	shalt  }
0x49: {  	_ =	shalt  }
0x4a: {  	_ =	shalt  }
0x4b: {  	_ =	shalt  }
0x4c: {  	_ =	shalt  }
0x4d: {  	_ =	shalt  }
0x4e: {  	_ =	shalt  }
0x4f: {  	_ =	shalt  }
0x50: {  	_ =	shalt  }
0x51: {  	_ =	shalt  }
0x52: {  	_ =	shalt  }
0x53: {  	_ =	shalt  }
0x54: {  	_ =	shalt  }
0x55: {  	_ =	shalt  }
0x56: {  	_ =	shalt  }
0x57: {  	_ =	shalt  }
0x58: {  	_ =	shalt  }
0x59: {  	_ =	shalt  }
0x5a: {  	_ =	shalt  }
0x5b: {  	_ =	shalt  }
0x5c: {  	_ =	shalt  }
0x5d: {  	_ =	shalt  }
0x5e: {  	_ =	shalt  }
0x5f: {  	_ =	shalt  }
0x60: {  	_ =	shalt  }
0x61: {  	_ =	shalt  }
0x62: {  	_ =	shalt  }
0x63: {  	_ =	shalt  }
0x64: {  	_ =	shalt  }
0x65: {  	_ =	shalt  }
0x66: {  	_ =	shalt  }
0x67: {  	_ =	shalt  }
0x68: {  	_ =	shalt  }
0x69: {  	_ =	shalt  }
0x6a: {  	_ =	shalt  }
0x6b: {  	_ =	shalt  }
0x6c: {  	_ =	shalt  }
0x6d: {  	_ =	shalt  }
0x6e: {  	_ =	shalt  }
0x6f: {  	_ =	shalt  }
0x70: {  	_ =	shalt  }
0x71: {  	_ =	shalt  }
0x72: {  	_ =	shalt  }
0x73: {  	_ =	shalt  }
0x74: {  	_ =	shalt  }
0x75: {  	_ =	shalt  }
0x76: {  	_ =	shalt  }
0x77: {  	_ =	shalt  }
0x78: {  	_ =	shalt  }
0x79: {  	_ =	shalt  }
0x7a: {  	_ =	shalt  }
0x7b: {  	_ =	shalt  }
0x7c: {  	_ =	shalt  }
0x7d: {  	_ =	shalt  }
0x7e: {  	_ =	shalt  }
0x7f: {  	_ =	shalt  }
0x80: {  	_ =	shalt  }
0x81: {  	_ =	shalt  }
0x82: {  	_ =	shalt  }
0x83: {  	_ =	shalt  }
0x84: {  	_ =	shalt  }
0x85: {  	_ =	shalt  }
0x86: {  	_ =	shalt  }
0x87: {  	_ =	shalt  }
.Lfunc_end0:
.L_simem_size_0:
called_computation_lowered:
.L_overlay_start_0:
0x88: {  	s2 =	sld [smem:$0x3FD9]  }
0x89: {  	s3 =	sld [smem:$0x3FFE];
	_ =	sdelay $0x1  }
0x8a: {  	s1 =	srdreg.scid  }
0x8b: {  	s0 =	sand.u32 $0x1, s1  }
0x8c: {  	s16 =	sshll.u32 s0, $0xA;
	s2 =	sadd.s32 s3, s2  }
0x8d: {  	s2 =	sadd.s32 s2, s16  }
0x8e: {  	[smem:$0x3FB7] =	sst s2  }
0x8f: {  	_ = 	snop  }
0x90: {  	(tm) =	ssettm $0x1  }
0x91: {  	s17 =	sld [smem:$0x3FFB];
	_ =	sdelay $0x3  }
0x92: {  	_ =	strace s17  }
0x93: {  	s2 =	sld [smem:$0x3FFC];
	_ =	sdelay $0x3  }
0x94: {  	_ =	strace s2  }
0x95: {  	s2 =	sld [smem:$0x3FFD];
	_ =	sdelay $0x3  }
0x96: {  	_ =	strace s2  }
0x97: {  	_ =	strace $0x8FFFFFFF  }
0x98: {  	s18 =	sld [smem:$0x3FDB];
	_ =	sdelay $0x1  }
0x99: {  	s19 =	simm.s32 $_scs_section_size  }
0x9a: {  	s4 =	simm.s32 $_size__tile_overlayer_lowered;
	s5 =	simm.s32 $_tile_overlayer_lowered  }
0x9b: {  	s22 =	simm.s32 $0x1BFF;
	s21 =	sshll.u32 s5, $0x1;
	s2 =	sadd.s32 s19, s18  }
0x9c: {  	s6 =	simm.s32 $0x0;
	s20 =	sshll.u32 s4, $0x1;
	s4 =	sadd.s32 s21, s2  }
0x9d: {  	[timem:s6], [sflag:s22] =	dma.local [hbm:s4], s20  }
0x9e: {  	_ =	swait.ge [sflag:s22], s20  }
0x9f: {  	s3 =	ssub.s32 $0x0, s20;
	[sflag:s22] =	ssyncset.done $0x0  }
0xa0: {  	[sflag:s22] =	ssyncadd.s32 s3;
	_ =	sdelay $0x1  }
0xa1: {  	s23 =	simm.s32 $0x1B8B  }
0xa2: {  	_ =	swait.ge [sflag:s23], $0x1  }
0xa3: {  	[sflag:s23] =	ssyncset.done $0x0  }
0xa4: {  	s25 =	simm.s32 $0x1B8E;
	s24 =	sld [smem:$0x3FFE];
	[sflag:s23] =	ssyncadd.s32 $0xFFFFFFFF  }
0xa5: {  	s26 =	simm.s32 $execute0_lowered;
	[smem:$0x3FD2] =	sst s25  }
0xa6: {  	s4 =	sshll.u32 s26, $0x1;
	_ =	strace $0x80000046;
	[dreg:$0x1] =	wrdreg $0xFFFFFFFF  }
0xa7: {  	s28 =	simm.s32 $_size_execute0_lowered;
	s2 =	sadd.s32 s2, s4;
	[dreg:$0x0] =	wrdreg $0x0  }
0xa8: {  	s4 =	sshll.u32 s28, $0x1;
	[dreg:$0x2] =	wrdreg s2  }
0xa9: {  	[dreg:$0x3] =	wrdreg s4  }
0xaa: {  	[dreg:$0x4] =	wrdreg $0xC0  }
0xab: {  	_ =	task [dreg:s6], $0x5FFFF  }
0xac: {  	[dreg:$0x1] =	wrdreg $0xFFFFFFFF  }
0xad: {  	[dreg:$0x0] =	wrdreg $0x60  }
0xae: {  	[dreg:$0x2] =	wrdreg s24  }
0xaf: {  	[dreg:$0x3] =	wrdreg $0xA8000  }
0xb0: {  	[dreg:$0x4] =	wrdreg $0x9  }
0xb1: {  	_ =	task.clear_ibuf [dreg:s6], $0x5FFFF;
	_ =	strace $0x90000046  }
0xb2: {  	s29 =	simm.s32 $0x9;
	_ =	strace $0x80000048  }
0xb3: {  	_ =	swait.ge [sflag:s29], $0x1  }
0xb4: {  	[sflag:s29] =	ssyncadd.s32 $0xFFFFFFFF  }
0xb5: {  	_ =	strace $0x90000048  }
0xb6: {  	_ =	sfence  }
0xb7: {  	s30 =	sld [smem:$0x0];
	_ =	sdelay $0x2  }
0xb8: {  	s31 =	sshll.u32 s1, $0xD;
	s1 =	sshrl.u32 s1, $0x2  }
0xb9: {  	s3 =	sand.u32 $0x4000, s31;
	s1 =	sadd.s32 s1, s30  }
0xba: {  	s0 =	sor.u32 s3, s0;
	s1 =	sshll.u32 s1, $0x11  }
0xbb: {  	s0 =	sor.u32 s1, s0  }
0xbc: {  	s0 =	sadd.s32 $0x8F2B, s0  }
0xbd: {  	[sflag:s0] =	ssyncadd.remote.s32 $0x1  }
0xbe: {  	_ =	sfence.sel $0xFFFF  }
0xbf: {  	[dreg:$0x0] =	wrdreg $0xFFFFFFFF;
	(pc) =	sbr.abs _section_cstart, $3  }
0xc0: {  	[dreg:$0x1] =	wrdreg $0xFFFFFFFF  }
0xc1: {  	_ =	task.clear_ibuf [dreg:s6], $0x2FFFF;
	_ =	strace $0x9FFFFFFF  }
0xc2: {  	(tm) =	ssettm $0x7FFFFFFF  }
0xc3: {  	_ =	shalt  }
tec
execute0_lowered:
.L_overlay_start_1:
0x0: {  	(tag) =	ssettag $0x1  }
0x1: {  	s6 =	rddreg [dreg:$0x0]  }
0x2: {  	s1 =	rddreg [dreg:$0x1]  }
0x3: {  	s2 =	srdreg.scid;
	s0 =	rddreg [dreg:$0x2]  }
0x4: {  	s3 =	simm.s32 $0x0;
	s18 =	simm.s32 $0x1400;
	s19 =	simm.s32 $0x80  }
0x5: {  	s20 =	simm.s32 $0x2800;
	s21 =	simm.s32 $0x6800;
	s22 =	simm.s32 $0x2  }
0x6: {  	s23 =	simm.s32 $0x1480;
	s24 =	simm.s32 $0x1;
	s25 =	simm.s32 $0x1300  }
0x7: {  	s26 =	simm.s32 $0x1380;
	s28 =	simm.s32 $0x0;
	s7 =	sand.u32 $0x1, s2  }
0x8: {  	s2 =	stileid.u32;
	[smem:$0x7FF] =	sst s3;
	s13 =	sadd.s32 $0x2AE00, s6  }
0x9: {  	s14 =	sadd.s32 $0x34E00, s6;
	s4 =	sshll.u32 s7, $0x4;
	_ =	strace $0x80000047  }
0xa: {  	s9 =	smul.u32 $0x50000, s2;
	s30 =	ssub.s32 $0x2, s7;
	s5 =	sor.u32 s2, s4  }
0xb: {  	s4 =	sadd.s32 $0x2E00, s6;
	s7 =	sshrl.u32 s30, $0x1;
	s8 =	smul.u32 $0x2800, s5  }
0xc: {  	s5 =	sadd.s32 $0x48E00, s6;
	s31 =	sshrl.u32 s9, $0x2;
	s17 =	ssub.s32 s30, s7  }
0xd: {  	s7 =	sadd.s32 s31, s1;
	s15 =	sadd.s32 s8, s6;
	s16 =	sshrl.u32 s8, $0x3  }
0xe: {  	s9 =	sadd.s32 $0x4000, s7;
	s10 =	sadd.s32 $0x8000, s7;
	s11 =	sadd.s32 $0xC000, s7  }
0xf: {  	s6 =	sadd.s32 s13, s16;
	s8 =	sadd.s32 s14, s16;
	s16 =	sadd.s32 $0x280, s16  }
0x10: {  	s12 =	sadd.s32 $0x10000, s7;
	s15 =	sadd.s32 $0x49600, s15;
	s13 =	sadd.s32 s13, s16  }
0x11: {  	s14 =	sadd.s32 s14, s16;
	s16 =	smax.u32 s17, $0x1;
	s17 =	simm.s32 $0x3  }
.LBB2_1:
0x12: {  	[tilespmem:s3], [sflag:$0x3] =	stream.linear.gather [hbm4b:s6+s3], $0x1400, $0x38;
	[tilespmem:$0x1E800] =	vst v63  }
0x13: {  	_ =	swait.ge [sflag:s17], $0x1400  }
0x14: {  	[sflag:s17] =	ssyncset.done $0x0  }
0x15: {  	[sflag:s17] =	ssyncadd.s32 $0xFFFFEC00  }
0x16: {  	[tilespmem:s18], [sflag:$0x3] =	stream.linear.gather [hbm4b:s8+s3], $0x1400, $0x38;
	[tilespmem:$0x1E800] =	vst v63  }
0x17: {  	_ =	swait.ge [sflag:s17], $0x1400  }
0x18: {  	[sflag:s17] =	ssyncset.done $0x0  }
0x19: {  	[sflag:s17] =	ssyncadd.s32 $0xFFFFEC00  }
0x1a: {  	[tilespmem:s20], [sflag:$0x1] =	stream.indirect.gather [hbm4b:s4+s19], $0x80, s18, s19, $0xb8;
	[tilespmem:$0x1E800] =	vst v63  }
0x1b: {  	_ = 	snop  }
0x1c: {  	[tilespmem:s21], [sflag:$0x3] =	stream.linear.gather [hbm4b:s5+s3], $0x4000, $0x38;
	[tilespmem:$0x1E800] =	vst v63  }
0x1d: {  	_ =	swait.ge [sflag:s17], $0x4000  }
0x1e: {  	[sflag:s17] =	ssyncset.done $0x0  }
0x1f: {  	[sflag:s17] =	ssyncadd.s32 $0xFFFFC000  }
0x20: {  	[spmem:s7] =	stream.linear.scatter [tilespmem:s21], [sflag:$0x2], $0x4000, $0x38;
	[tilespmem:$0x1E800] =	vst v63  }
0x21: {  	_ = 	snop  }
0x22: {  	[spmem:s9] =	stream.linear.scatter [tilespmem:s21], [sflag:$0x2], $0x4000, $0x38;
	[tilespmem:$0x1E800] =	vst v63  }
0x23: {  	_ = 	snop  }
0x24: {  	[spmem:s10] =	stream.linear.scatter [tilespmem:s21], [sflag:$0x2], $0x4000, $0x38;
	[tilespmem:$0x1E800] =	vst v63  }
0x25: {  	_ = 	snop  }
0x26: {  	[spmem:s11] =	stream.linear.scatter [tilespmem:s21], [sflag:$0x2], $0x4000, $0x38;
	[tilespmem:$0x1E800] =	vst v63  }
0x27: {  	_ = 	snop  }
0x28: {  	[spmem:s12] =	stream.linear.scatter [tilespmem:s21], [sflag:$0x2], $0x4000, $0x38;
	[tilespmem:$0x1E800] =	vst v63  }
0x29: {  	_ =	swait.ge [sflag:s22], $0x4000  }
0x2a: {  	[sflag:s22] =	ssyncset.done $0x0  }
0x2b: {  	[sflag:s22] =	ssyncadd.s32 $0xFFFFC000  }
0x2c: {  	_ =	swait.ge [sflag:s22], $0x4000  }
0x2d: {  	[sflag:s22] =	ssyncset.done $0x0  }
0x2e: {  	[sflag:s22] =	ssyncadd.s32 $0xFFFFC000  }
0x2f: {  	_ =	swait.ge [sflag:s22], $0x4000  }
0x30: {  	[sflag:s22] =	ssyncset.done $0x0  }
0x31: {  	[sflag:s22] =	ssyncadd.s32 $0xFFFFC000  }
0x32: {  	_ =	swait.ge [sflag:s22], $0x4000  }
0x33: {  	[sflag:s22] =	ssyncset.done $0x0  }
0x34: {  	[sflag:s22] =	ssyncadd.s32 $0xFFFFC000  }
0x35: {  	_ =	swait.ge [sflag:s22], $0x4000  }
0x36: {  	[sflag:s22] =	ssyncset.done $0x0  }
0x37: {  	[sflag:s22] =	ssyncadd.s32 $0xFFFFC000  }
0x38: {  	[bflag:$0x0] =	sbarrier.arrive $0xFFFF  }
0x39: {  	[tilespmem:s21], [sflag:$0x2] =	stream.indirect.gather [hbm4b:s4+s19], $0x80, s23, s19, $0xb8;
	[tilespmem:$0x1E800] =	vst v63  }
0x3a: {  	_ =	swait.ge [sflag:s24], $0x4000  }
0x3b: {  	[sflag:s24] =	ssyncset.done $0x0  }
0x3c: {  	s29 =	simm.s32 $0x0;
	[sflag:s24] =	ssyncadd.s32 $0xFFFFC000  }
0x3d: {  	[spmem:s1] =	stream.indirect.scatter.add.f32 [tilespmem:s20], [sflag:$0x3], $0x80, s29, s19, $0xb8;
	[tilespmem:$0x1E800] =	vst v63  }
0x3e: {  	_ =	swait.ge [sflag:s17], $0x4000  }
0x3f: {  	[sflag:s17] =	ssyncset.done $0x0  }
0x40: {  	s29 =	simm.s32 $0x1500;
	[sflag:s17] =	ssyncadd.s32 $0xFFFFC000  }
0x41: {  	[tilespmem:s20], [sflag:$0x1] =	stream.indirect.gather [hbm4b:s4+s19], $0x80, s29, s19, $0xb8;
	[tilespmem:$0x1E800] =	vst v63  }
0x42: {  	_ =	swait.ge [sflag:s22], $0x4000  }
0x43: {  	[sflag:s22] =	ssyncset.done $0x0  }
0x44: {  	s29 =	simm.s32 $0x80;
	[sflag:s22] =	ssyncadd.s32 $0xFFFFC000  }
0x45: {  	[spmem:s1] =	stream.indirect.scatter.add.f32 [tilespmem:s21], [sflag:$0x3], $0x80, s29, s19, $0xb8;
	[tilespmem:$0x1E800] =	vst v63  }
0x46: {  	_ =	swait.ge [sflag:s17], $0x4000  }
0x47: {  	[sflag:s17] =	ssyncset.done $0x0  }
0x48: {  	s30 =	simm.s32 $0x1580;
	s29 =	simm.s32 $0x400;
	[sflag:s17] =	ssyncadd.s32 $0xFFFFC000  }
.LBB2_2:
0x49: {  	[tilespmem:s21], [sflag:$0x2] =	stream.indirect.gather [hbm4b:s4+s19], $0x80, s30, s19, $0xb8;
	[tilespmem:$0x1E800] =	vst v63  }
0x4a: {  	s30 =	smov.u32 s29  }
0x4b: {  	p0 =	sne.s32 s29, $0x4800;
	s29 =	sadd.s32 $0x400, s29;
	_ =	swait.ge [sflag:s24], $0x4000  }
0x4c: {  	[sflag:s24] =	ssyncset.done $0x0  }
0x4d: {  	s30 =	sshra.s32 s30, $0x2;
	[sflag:s24] =	ssyncadd.s32 $0xFFFFC000  }
0x4e: {  	[spmem:s1] =	stream.indirect.scatter.add.f32 [tilespmem:s20], [sflag:$0x3], $0x80, s30, s19, $0xb8;
	[tilespmem:$0x1E800] =	vst v63  }
0x4f: {  	_ =	swait.ge [sflag:s17], $0x4000  }
0x50: {  	[sflag:s17] =	ssyncset.done $0x0  }
0x51: {  	s31 =	sadd.s32 $0x1500, s30;
	[sflag:s17] =	ssyncadd.s32 $0xFFFFC000  }
0x52: {  	[tilespmem:s20], [sflag:$0x1] =	stream.indirect.gather [hbm4b:s4+s19], $0x80, s31, s19, $0xb8;
	[tilespmem:$0x1E800] =	vst v63  }
0x53: {  	_ =	swait.ge [sflag:s22], $0x4000  }
0x54: {  	[sflag:s22] =	ssyncset.done $0x0  }
.Ltmp0:
0x55: {  	s31 =	sadd.s32 $0x80, s30;
	[sflag:s22] =	ssyncadd.s32 $0xFFFFC000;
	(pc) =	sbr.rel @p0 .LBB2_2-.Ltmp0, $4  }
0x56: {  	[spmem:s1] =	stream.indirect.scatter.add.f32 [tilespmem:s21], [sflag:$0x3], $0x80, s31, s19, $0xb8;
	[tilespmem:$0x1E800] =	vst v63  }
0x57: {  	_ =	swait.ge [sflag:s17], $0x4000  }
0x58: {  	[sflag:s17] =	ssyncset.done $0x0  }
0x59: {  	s30 =	sadd.s32 $0x1580, s30;
	[sflag:s17] =	ssyncadd.s32 $0xFFFFC000  }
0x5a: {  	[tilespmem:s21], [sflag:$0x2] =	stream.indirect.gather [hbm4b:s4+s19], $0x80, s30, s19, $0xb8;
	[tilespmem:$0x1E800] =	vst v63  }
0x5b: {  	_ =	swait.ge [sflag:s24], $0x4000  }
0x5c: {  	[sflag:s24] =	ssyncset.done $0x0  }
0x5d: {  	[sflag:s24] =	ssyncadd.s32 $0xFFFFC000  }
0x5e: {  	[spmem:s1] =	stream.indirect.scatter.add.f32 [tilespmem:s20], [sflag:$0x3], $0x80, s25, s19, $0xb8;
	[tilespmem:$0x1E800] =	vst v63  }
0x5f: {  	_ =	swait.ge [sflag:s17], $0x4000  }
0x60: {  	[sflag:s17] =	ssyncset.done $0x0  }
0x61: {  	[sflag:s17] =	ssyncadd.s32 $0xFFFFC000  }
0x62: {  	_ =	swait.ge [sflag:s22], $0x4000  }
0x63: {  	[sflag:s22] =	ssyncset.done $0x0  }
0x64: {  	[sflag:s22] =	ssyncadd.s32 $0xFFFFC000  }
0x65: {  	[spmem:s1] =	stream.indirect.scatter.add.f32 [tilespmem:s21], [sflag:$0x3], $0x80, s26, s19, $0xb8;
	[tilespmem:$0x1E800] =	vst v63  }
0x66: {  	_ =	swait.ge [sflag:s17], $0x4000  }
0x67: {  	[sflag:s17] =	ssyncset.done $0x0  }
0x68: {  	s29 =	simm.s32 $0x0;
	[sflag:s17] =	ssyncadd.s32 $0xFFFFC000  }
0x69: {  	[tilespmem:s29], [sflag:$0x3] =	stream.linear.gather [hbm4b:s13+s29], $0x1400, $0x38;
	[tilespmem:$0x1E800] =	vst v63  }
0x6a: {  	_ =	swait.ge [sflag:s17], $0x1400  }
0x6b: {  	[sflag:s17] =	ssyncset.done $0x0  }
0x6c: {  	[sflag:s17] =	ssyncadd.s32 $0xFFFFEC00  }
0x6d: {  	[tilespmem:s18], [sflag:$0x3] =	stream.linear.gather [hbm4b:s14+s29], $0x1400, $0x38;
	[tilespmem:$0x1E800] =	vst v63  }
0x6e: {  	_ =	swait.ge [sflag:s17], $0x1400  }
0x6f: {  	[sflag:s17] =	ssyncset.done $0x0  }
0x70: {  	[sflag:s17] =	ssyncadd.s32 $0xFFFFEC00  }
0x71: {  	[tilespmem:s20], [sflag:$0x1] =	stream.indirect.gather [hbm4b:s4+s19], $0x80, s18, s19, $0xb8;
	[tilespmem:$0x1E800] =	vst v63  }
0x72: {  	_ = 	snop  }
0x73: {  	[tilespmem:s21], [sflag:$0x2] =	stream.indirect.gather [hbm4b:s4+s19], $0x80, s23, s19, $0xb8;
	[tilespmem:$0x1E800] =	vst v63  }
0x74: {  	_ =	swait.ge [sflag:s24], $0x4000  }
0x75: {  	[sflag:s24] =	ssyncset.done $0x0  }
0x76: {  	s29 =	simm.s32 $0x0;
	[sflag:s24] =	ssyncadd.s32 $0xFFFFC000  }
0x77: {  	[spmem:s1] =	stream.indirect.scatter.add.f32 [tilespmem:s20], [sflag:$0x3], $0x80, s29, s19, $0xb8;
	[tilespmem:$0x1E800] =	vst v63  }
0x78: {  	_ =	swait.ge [sflag:s17], $0x4000  }
0x79: {  	[sflag:s17] =	ssyncset.done $0x0  }
0x7a: {  	s29 =	simm.s32 $0x1500;
	[sflag:s17] =	ssyncadd.s32 $0xFFFFC000  }
0x7b: {  	[tilespmem:s20], [sflag:$0x1] =	stream.indirect.gather [hbm4b:s4+s19], $0x80, s29, s19, $0xb8;
	[tilespmem:$0x1E800] =	vst v63  }
0x7c: {  	_ =	swait.ge [sflag:s22], $0x4000  }
0x7d: {  	[sflag:s22] =	ssyncset.done $0x0  }
0x7e: {  	s29 =	simm.s32 $0x80;
	[sflag:s22] =	ssyncadd.s32 $0xFFFFC000  }
0x7f: {  	[spmem:s1] =	stream.indirect.scatter.add.f32 [tilespmem:s21], [sflag:$0x3], $0x80, s29, s19, $0xb8;
	[tilespmem:$0x1E800] =	vst v63  }
0x80: {  	_ =	swait.ge [sflag:s17], $0x4000  }
0x81: {  	[sflag:s17] =	ssyncset.done $0x0  }
0x82: {  	s30 =	simm.s32 $0x1580;
	s29 =	simm.s32 $0x400;
	[sflag:s17] =	ssyncadd.s32 $0xFFFFC000  }
.LBB2_4:
0x83: {  	[tilespmem:s21], [sflag:$0x2] =	stream.indirect.gather [hbm4b:s4+s19], $0x80, s30, s19, $0xb8;
	[tilespmem:$0x1E800] =	vst v63  }
0x84: {  	s30 =	smov.u32 s29  }
0x85: {  	p0 =	sne.s32 s29, $0x4800;
	s29 =	sadd.s32 $0x400, s29;
	_ =	swait.ge [sflag:s24], $0x4000  }
0x86: {  	[sflag:s24] =	ssyncset.done $0x0  }
0x87: {  	s30 =	sshra.s32 s30, $0x2;
	[sflag:s24] =	ssyncadd.s32 $0xFFFFC000  }
0x88: {  	[spmem:s1] =	stream.indirect.scatter.add.f32 [tilespmem:s20], [sflag:$0x3], $0x80, s30, s19, $0xb8;
	[tilespmem:$0x1E800] =	vst v63  }
0x89: {  	_ =	swait.ge [sflag:s17], $0x4000  }
0x8a: {  	[sflag:s17] =	ssyncset.done $0x0  }
0x8b: {  	s31 =	sadd.s32 $0x1500, s30;
	[sflag:s17] =	ssyncadd.s32 $0xFFFFC000  }
0x8c: {  	[tilespmem:s20], [sflag:$0x1] =	stream.indirect.gather [hbm4b:s4+s19], $0x80, s31, s19, $0xb8;
	[tilespmem:$0x1E800] =	vst v63  }
0x8d: {  	_ =	swait.ge [sflag:s22], $0x4000  }
0x8e: {  	[sflag:s22] =	ssyncset.done $0x0  }
.Ltmp1:
0x8f: {  	s31 =	sadd.s32 $0x80, s30;
	[sflag:s22] =	ssyncadd.s32 $0xFFFFC000;
	(pc) =	sbr.rel @p0 .LBB2_4-.Ltmp1, $4  }
0x90: {  	[spmem:s1] =	stream.indirect.scatter.add.f32 [tilespmem:s21], [sflag:$0x3], $0x80, s31, s19, $0xb8;
	[tilespmem:$0x1E800] =	vst v63  }
0x91: {  	_ =	swait.ge [sflag:s17], $0x4000  }
0x92: {  	[sflag:s17] =	ssyncset.done $0x0  }
0x93: {  	s30 =	sadd.s32 $0x1580, s30;
	[sflag:s17] =	ssyncadd.s32 $0xFFFFC000  }
0x94: {  	[tilespmem:s21], [sflag:$0x2] =	stream.indirect.gather [hbm4b:s4+s19], $0x80, s30, s19, $0xb8;
	[tilespmem:$0x1E800] =	vst v63  }
0x95: {  	_ =	swait.ge [sflag:s24], $0x4000  }
0x96: {  	[sflag:s24] =	ssyncset.done $0x0  }
0x97: {  	[sflag:s24] =	ssyncadd.s32 $0xFFFFC000  }
0x98: {  	[spmem:s1] =	stream.indirect.scatter.add.f32 [tilespmem:s20], [sflag:$0x3], $0x80, s25, s19, $0xb8;
	[tilespmem:$0x1E800] =	vst v63  }
0x99: {  	_ =	swait.ge [sflag:s17], $0x4000  }
0x9a: {  	[sflag:s17] =	ssyncset.done $0x0  }
0x9b: {  	[sflag:s17] =	ssyncadd.s32 $0xFFFFC000  }
0x9c: {  	_ =	swait.ge [sflag:s22], $0x4000  }
0x9d: {  	[sflag:s22] =	ssyncset.done $0x0  }
0x9e: {  	[sflag:s22] =	ssyncadd.s32 $0xFFFFC000  }
0x9f: {  	[spmem:s1] =	stream.indirect.scatter.add.f32 [tilespmem:s21], [sflag:$0x3], $0x80, s26, s19, $0xb8;
	[tilespmem:$0x1E800] =	vst v63  }
0xa0: {  	_ =	swait.ge [sflag:s17], $0x4000  }
0xa1: {  	s29 =	sshll.u32 s2, $0x6;
	s28 =	sadd.s32 $0x1, s28;
	[sflag:s17] =	ssyncset.done $0x0  }
0xa2: {  	s31 =	sshrl.u32 s7, $0x3;
	p0 =	sne.s32 s28, s16;
	[sflag:s17] =	ssyncadd.s32 $0xFFFFC000  }
.Ltmp2:
0xa3: {  	s29 =	sor.u32 $0x1C03, s29;
	[bflag:$0x0] =	sbarrier.arrive $0xFFFF;
	(pc) =	sbr.rel @p0 .LBB2_1-.Ltmp2, $4  }
0xa4: {  	[hbm:s15], [sflag:s29] =	dma.local [spmem:s31], $0x2800  }
0xa5: {  	_ =	swait.ge [sflag:s17], $0x2800  }
0xa6: {  	[sflag:s17] =	ssyncset.done $0x0  }
0xa7: {  	[sflag:s17] =	ssyncadd.s32 $0xFFFFD800  }
0xa8: {  	_ =	sfence.sel $0x180000  }
0xa9: {  	[bflag:$0x0] =	sbarrier.arrive $0xFFFF  }
0xaa: {  	p0 =	sne.s32 s2, $0x0;
	_ =	strace $0x90000047  }
0xab: {  	s0 =	sadd.s32 @!p0 $0x100000, s0;
	[bflag:$0x2] =	sbarrier.arrive $0xFFFF  }
0xac: {  	[sflag:s0] =	ssyncadd.tile.s32 @!p0 $0x1;
	_ =	shalt  }
.Lfunc_end2:
_tile_overlayer_lowered:
.L_overlay_start_2:
0xad: {  	(tag) =	ssettag $0x2  }
0xae: {  	s0 =	rddreg [dreg:$0x0];
	s2 =	stileid.u32  }
0xaf: {  	s1 =	rddreg [dreg:$0x1];
	p0 =	sne.s32 s2, $0x0  }
0xb0: {  	s3 =	rddreg [dreg:$0x2];
	[bflag:$0x3] =	sbarrier.arrive $0xFFFF;
	s2 =	simm.s32 @!p0 $0x1C03  }
0xb1: {  	[timem:s3], [sflag:s2] =	dma.local @!p0 [hbm:s0], s1  }
0xb2: {  	s0 =	simm.s32 @!p0 $0x3  }
0xb3: {  	_ =	swait.ge @!p0 [sflag:s0], s1  }
0xb4: {  	s1 =	ssub.s32 @!p0 $0x0, s1;
	[sflag:s0] =	ssyncset.done @!p0 $0x0  }
0xb5: {  	[sflag:s0] =	ssyncadd.s32 @!p0 s1  }
0xb6: {  	[bflag:$0x3] =	sbarrier.arrive $0xFFFF  }
0xb7: {  	_ =	shalt  }

// kernel: sc_edge_aggr.7.cloned.1.call-start
scs
__scs_entry_jumppad:
0x0: {  	(pc) =	sbr.rel $0x88, $3  }
0x1: {  	(tag) =	ssettag $0x0;
	lr =	simm.s32 $0x1  }
0x2: {  	[smem:$0x3F90] =	sst lr;
	_ =	strace $0xD0000000  }
0x3: {  	_ = 	snop  }
0x4: {  	_ = 	snop  }
0x5: {  	_ = 	snop  }
0x6: {  	_ = 	snop  }
0x7: {  	_ = 	snop  }
__scs_overlays_trampoline_lowered:
0x8: {  	[smem:$0x3F9F] =	sst s0  }
0x9: {  	[smem:$0x3FA0] =	sst s1  }
0xa: {  	[smem:$0x3FA1] =	sst s2  }
0xb: {  	[smem:$0x3FA2] =	sst s3  }
0xc: {  	[smem:$0x3FA3] =	sst s4  }
0xd: {  	[smem:$0x3FA4] =	sst s5  }
0xe: {  	[smem:$0x3FA5] =	sst s6  }
0xf: {  	[smem:$0x3FA6] =	sst s7  }
0x10: {  	[smem:$0x3FA7] =	sst s8  }
0x11: {  	[smem:$0x3FA8] =	sst s9;
	s0 =	simm.s32 @!p0 $0x0  }
0x12: {  	s1 =	sld [smem:$0x3F8E];
	s0 =	simm.s32 @p0 $0x1  }
0x13: {  	[smem:$0x3FA9] =	sst s0;
	s0 =	simm.s32 @!p1 $0x0  }
0x14: {  	s2 =	sld [smem:$0x3F8D];
	s0 =	simm.s32 @p1 $0x1  }
0x15: {  	[smem:$0x3FAA] =	sst s0;
	s0 =	simm.s32 @!p2 $0x0  }
0x16: {  	s3 =	sld [smem:$0x3FDB];
	s0 =	simm.s32 @p2 $0x1  }
0x17: {  	s4 =	simm.s32 $0x1BF5;
	[smem:$0x3FAC] =	sst s0  }
0x18: {  	s0 =	sld [smem:$0x3F8F];
	_ =	swait.ge [sflag:s4], $0x0  }
0x19: {  	s7 =	sld [smem:$0x3F90]  }
0x1a: {  	s8 =	sadd.s32 $0xFFFFE003, lr  }
0x1b: {  	s9 =	sadd.s32 $0xFFFFFEF7, lr;
	s5 =	simm.s32 $0xFFFFFFFF;
	p2 =	slt.u32 s8, $0xFFFFF086  }
0x1c: {  	p1 =	slt.u32 s9, $0xF7A;
	s5 =	simm.s32 @!p2 $0x0  }
0x1d: {  	s5 =	simm.s32 @p1 $0x1;
	p0 =	seq.s32 s7, s2  }
0x1e: {  	s7 =	smul.u32 @!p0 $0xF7A, s2;
	p2 =	seq.s32 @!p0 s5, $0x0  }
0x1f: {  	s9 =	smul.u32 $0xF7A, s1;
	s8 =	simm.s32 @!p0 $0x1BF5;
	p2 =	por !p2, p0  }
0x20: {  	[sflag:s8] =	ssyncset.s32 @!p0 $0xFFFFF086;
	s6 =	sadd.s32 @!p0 s3, s7;
	s7 =	simm.s32 @!p0 $0x108  }
0x21: {  	s3 =	sadd.s32 s3, s9;
	s6 =	sadd.s32 @!p0 $0x88, s6;
	s7 =	simm.s32 @p2 $0x1082  }
0x22: {  	[simem:s7], [sflag:s8] =	dma.local @!p0 [hbm:s6], $0xF7A  }
0x23: {  	s9 =	sor.u32 $0xD0000000, s2;
	s6 =	simm.s32 $0x108;
	_ =	swait.ge @!p0 [sflag:s8], $0x0  }
0x24: {  	s3 =	sadd.s32 $0x88, s3;
	s6 =	simm.s32 @!p1 $0x1082;
	[sflag:s4] =	ssyncset.s32 $0xFFFFF086  }
0x25: {  	[simem:s6], [sflag:s4] =	dma.local [hbm:s3], $0xF7A  }
0x26: {  	[smem:$0x3F90] =	sst s1;
	(tag) =	ssettag s2;
	_ =	strace s9  }
0x27: {  	s1 =	sld [smem:$0x3FA0]  }
0x28: {  	s2 =	sld [smem:$0x3FA1]  }
0x29: {  	s4 =	sld [smem:$0x3FA3]  }
0x2a: {  	p0 =	seq.s32 s5, $0x0;
	s5 =	sld [smem:$0x3FA4]  }
0x2b: {  	s6 =	sld [smem:$0x3FA5]  }
0x2c: {  	s7 =	sld [smem:$0x3FA6]  }
0x2d: {  	s3 =	simm.s32 $0x108;
	s8 =	sld [smem:$0x3FA7]  }
0x2e: {  	s3 =	simm.s32 @!p0 $0x1082;
	s9 =	sld [smem:$0x3FA8]  }
0x2f: {  	lr =	sadd.s32 s0, s3;
	s0 =	sld [smem:$0x3F9F]  }
0x30: {  	s3 =	sld [smem:$0x3FA2]  }
0x31: {  	[smem:$0x3FAB] =	sst s10  }
0x32: {  	s10 =	sld [smem:$0x3FA9];
	_ =	sdelay $0x3  }
0x33: {  	p0 =	seq.s32 s10, $0x1;
	s10 =	sld [smem:$0x3FAB];
	_ =	sdelay $0x3  }
0x34: {  	[smem:$0x3FAB] =	sst s10  }
0x35: {  	s10 =	sld [smem:$0x3FAA];
	_ =	sdelay $0x3  }
0x36: {  	p1 =	seq.s32 s10, $0x1;
	s10 =	sld [smem:$0x3FAB];
	_ =	sdelay $0x3  }
0x37: {  	[smem:$0x3FAB] =	sst s10  }
0x38: {  	s10 =	sld [smem:$0x3FAC]  }
0x39: {  	_ = 	snop;
	(pc) =	sbr.ind lr, $3  }
0x3a: {  	_ = 	snop  }
0x3b: {  	_ = 	snop  }
0x3c: {  	p2 =	seq.s32 s10, $0x1;
	s10 =	sld [smem:$0x3FAB]  }
0x3d: {  	_ =	shalt  }
0x3e: {  	_ =	shalt  }
0x3f: {  	_ =	shalt  }
0x40: {  	_ =	shalt  }
0x41: {  	_ =	shalt  }
0x42: {  	_ =	shalt  }
0x43: {  	_ =	shalt  }
0x44: {  	_ =	shalt  }
0x45: {  	_ =	shalt  }
0x46: {  	_ =	shalt  }
0x47: {  	_ =	shalt  }
0x48: {  	_ =	shalt  }
0x49: {  	_ =	shalt  }
0x4a: {  	_ =	shalt  }
0x4b: {  	_ =	shalt  }
0x4c: {  	_ =	shalt  }
0x4d: {  	_ =	shalt  }
0x4e: {  	_ =	shalt  }
0x4f: {  	_ =	shalt  }
0x50: {  	_ =	shalt  }
0x51: {  	_ =	shalt  }
0x52: {  	_ =	shalt  }
0x53: {  	_ =	shalt  }
0x54: {  	_ =	shalt  }
0x55: {  	_ =	shalt  }
0x56: {  	_ =	shalt  }
0x57: {  	_ =	shalt  }
0x58: {  	_ =	shalt  }
0x59: {  	_ =	shalt  }
0x5a: {  	_ =	shalt  }
0x5b: {  	_ =	shalt  }
0x5c: {  	_ =	shalt  }
0x5d: {  	_ =	shalt  }
0x5e: {  	_ =	shalt  }
0x5f: {  	_ =	shalt  }
0x60: {  	_ =	shalt  }
0x61: {  	_ =	shalt  }
0x62: {  	_ =	shalt  }
0x63: {  	_ =	shalt  }
0x64: {  	_ =	shalt  }
0x65: {  	_ =	shalt  }
0x66: {  	_ =	shalt  }
0x67: {  	_ =	shalt  }
0x68: {  	_ =	shalt  }
0x69: {  	_ =	shalt  }
0x6a: {  	_ =	shalt  }
0x6b: {  	_ =	shalt  }
0x6c: {  	_ =	shalt  }
0x6d: {  	_ =	shalt  }
0x6e: {  	_ =	shalt  }
0x6f: {  	_ =	shalt  }
0x70: {  	_ =	shalt  }
0x71: {  	_ =	shalt  }
0x72: {  	_ =	shalt  }
0x73: {  	_ =	shalt  }
0x74: {  	_ =	shalt  }
0x75: {  	_ =	shalt  }
0x76: {  	_ =	shalt  }
0x77: {  	_ =	shalt  }
0x78: {  	_ =	shalt  }
0x79: {  	_ =	shalt  }
0x7a: {  	_ =	shalt  }
0x7b: {  	_ =	shalt  }
0x7c: {  	_ =	shalt  }
0x7d: {  	_ =	shalt  }
0x7e: {  	_ =	shalt  }
0x7f: {  	_ =	shalt  }
0x80: {  	_ =	shalt  }
0x81: {  	_ =	shalt  }
0x82: {  	_ =	shalt  }
0x83: {  	_ =	shalt  }
0x84: {  	_ =	shalt  }
0x85: {  	_ =	shalt  }
0x86: {  	_ =	shalt  }
0x87: {  	_ =	shalt  }
.Lfunc_end0:
.L_simem_size_0:
called_computation.1_lowered:
.L_overlay_start_0:
0x88: {  	s2 =	sld [smem:$0x3FD9]  }
0x89: {  	s3 =	sld [smem:$0x3FFE];
	_ =	sdelay $0x1  }
0x8a: {  	s1 =	srdreg.scid  }
0x8b: {  	s0 =	sand.u32 $0x1, s1  }
0x8c: {  	s17 =	sshll.u32 s0, $0xA;
	s2 =	sadd.s32 s3, s2  }
0x8d: {  	s2 =	sadd.s32 s2, s17  }
0x8e: {  	[smem:$0x3FB7] =	sst s2  }
0x8f: {  	_ = 	snop  }
0x90: {  	s2 =	sld [smem:$0x3FD0];
	(tm) =	ssettm $0x1  }
0x91: {  	s18 =	sld [smem:$0x3FFB];
	_ =	sdelay $0x3  }
0x92: {  	_ =	strace s18  }
0x93: {  	s3 =	sld [smem:$0x3FFC];
	_ =	sdelay $0x3  }
0x94: {  	_ =	strace s3  }
0x95: {  	s3 =	sld [smem:$0x3FFD];
	_ =	sdelay $0x3  }
0x96: {  	_ =	strace s3  }
0x97: {  	_ =	strace $0x8FFFFFFF  }
0x98: {  	s19 =	sld [smem:$0x3FDB];
	_ =	sdelay $0x1  }
0x99: {  	s4 =	simm.s32 $_scs_section_size  }
0x9a: {  	s5 =	simm.s32 $_size__tile_overlayer_lowered;
	s6 =	simm.s32 $_tile_overlayer_lowered  }
0x9b: {  	s22 =	simm.s32 $0x1BFF;
	s21 =	sshll.u32 s6, $0x1;
	s3 =	sadd.s32 s4, s19  }
0x9c: {  	s7 =	simm.s32 $0x0;
	s20 =	sshll.u32 s5, $0x1;
	s5 =	sadd.s32 s21, s3  }
0x9d: {  	[timem:s7], [sflag:s22] =	dma.local [hbm:s5], s20  }
0x9e: {  	_ =	swait.ge [sflag:s22], s20  }
0x9f: {  	s4 =	ssub.s32 $0x0, s20;
	[sflag:s22] =	ssyncset.done $0x0  }
0xa0: {  	[sflag:s22] =	ssyncadd.s32 s4;
	_ =	sdelay $0x1  }
0xa1: {  	s23 =	simm.s32 $0x1B8B  }
0xa2: {  	_ =	swait.ge [sflag:s23], $0x1  }
0xa3: {  	[sflag:s23] =	ssyncset.done $0x0  }
0xa4: {  	s25 =	simm.s32 $0x1B8E;
	s24 =	sld [smem:$0x3FFE];
	[sflag:s23] =	ssyncadd.s32 $0xFFFFFFFF  }
0xa5: {  	s26 =	simm.s32 $execute0_lowered;
	[smem:$0x3FD2] =	sst s25  }
0xa6: {  	s5 =	sshll.u32 s26, $0x1;
	_ =	strace $0x80000049;
	[dreg:$0x1] =	wrdreg $0xFFFFFFFF  }
0xa7: {  	s28 =	simm.s32 $_size_execute0_lowered;
	s3 =	sadd.s32 s3, s5;
	[dreg:$0x0] =	wrdreg $0x0  }
0xa8: {  	s5 =	sshll.u32 s28, $0x1;
	[dreg:$0x2] =	wrdreg s3  }
0xa9: {  	[dreg:$0x3] =	wrdreg s5  }
0xaa: {  	[dreg:$0x4] =	wrdreg $0xC0  }
0xab: {  	_ =	task [dreg:s7], $0x5FFFF  }
0xac: {  	[dreg:$0x1] =	wrdreg $0xFFFFFFFF  }
0xad: {  	[dreg:$0x0] =	wrdreg $0x60  }
0xae: {  	[dreg:$0x2] =	wrdreg s24  }
0xaf: {  	[dreg:$0x3] =	wrdreg s2  }
0xb0: {  	[dreg:$0x4] =	wrdreg $0xA8000  }
0xb1: {  	[dreg:$0x5] =	wrdreg $0x9  }
0xb2: {  	_ =	task.clear_ibuf [dreg:s7], $0x6FFFF;
	_ =	strace $0x90000049  }
0xb3: {  	s29 =	simm.s32 $0x9;
	_ =	strace $0x8000004B  }
0xb4: {  	_ =	swait.ge [sflag:s29], $0x1  }
0xb5: {  	[sflag:s29] =	ssyncadd.s32 $0xFFFFFFFF  }
0xb6: {  	_ =	strace $0x9000004B  }
0xb7: {  	_ =	sfence  }
0xb8: {  	s30 =	sld [smem:$0x0];
	_ =	sdelay $0x2  }
0xb9: {  	s31 =	sshll.u32 s1, $0xD;
	s1 =	sshrl.u32 s1, $0x2  }
0xba: {  	s3 =	sand.u32 $0x4000, s31;
	s1 =	sadd.s32 s1, s30  }
0xbb: {  	s0 =	sor.u32 s3, s0;
	s1 =	sshll.u32 s1, $0x11  }
0xbc: {  	s0 =	sor.u32 s1, s0  }
0xbd: {  	s0 =	sadd.s32 $0x8F2B, s0  }
0xbe: {  	[sflag:s0] =	ssyncadd.remote.s32 $0x1  }
0xbf: {  	_ =	sfence.sel $0xFFFF  }
0xc0: {  	[dreg:$0x0] =	wrdreg $0xFFFFFFFF;
	(pc) =	sbr.abs _section_cstart, $3  }
0xc1: {  	[dreg:$0x1] =	wrdreg $0xFFFFFFFF  }
0xc2: {  	_ =	task.clear_ibuf [dreg:s7], $0x2FFFF;
	_ =	strace $0x9FFFFFFF  }
0xc3: {  	(tm) =	ssettm $0x7FFFFFFF  }
tec
execute0_lowered:
.L_overlay_start_1:
0x0: {  	(tag) =	ssettag $0x1  }
0x1: {  	s6 =	rddreg [dreg:$0x0]  }
0x2: {  	s13 =	rddreg [dreg:$0x1]  }
0x3: {  	s1 =	rddreg [dreg:$0x2];
	s2 =	srdreg.scid  }
0x4: {  	s0 =	rddreg [dreg:$0x3];
	s3 =	simm.s32 $0x0;
	s18 =	simm.s32 $0x1400  }
0x5: {  	s19 =	simm.s32 $0x80;
	s20 =	simm.s32 $0x2800;
	s21 =	simm.s32 $0x6800  }
0x6: {  	s22 =	simm.s32 $0x2;
	s23 =	simm.s32 $0x1480;
	s24 =	simm.s32 $0x1  }
0x7: {  	s25 =	simm.s32 $0x1300;
	s26 =	simm.s32 $0x1380;
	s28 =	simm.s32 $0x0  }
0x8: {  	s7 =	sand.u32 $0x1, s2;
	s2 =	stileid.u32;
	[smem:$0x7FF] =	sst s3  }
0x9: {  	s14 =	sadd.s32 $0x3EE00, s6;
	s5 =	sadd.s32 $0x48E00, s6;
	s4 =	sshll.u32 s7, $0x4  }
0xa: {  	s9 =	smul.u32 $0x50000, s2;
	s30 =	ssub.s32 $0x2, s7;
	s4 =	sor.u32 s2, s4  }
0xb: {  	_ =	strace $0x8000004A;
	s7 =	sshrl.u32 s30, $0x1;
	s8 =	smul.u32 $0x2800, s4  }
0xc: {  	s4 =	sadd.s32 $0x2E00, s6;
	s31 =	sshrl.u32 s9, $0x2;
	s17 =	ssub.s32 s30, s7  }
0xd: {  	s7 =	sadd.s32 s31, s1;
	s15 =	sadd.s32 s8, s6;
	s16 =	sshrl.u32 s8, $0x3  }
0xe: {  	s9 =	sadd.s32 $0x4000, s7;
	s10 =	sadd.s32 $0x8000, s7;
	s11 =	sadd.s32 $0xC000, s7  }
0xf: {  	s6 =	sadd.s32 s13, s16;
	s8 =	sadd.s32 s14, s16;
	s16 =	sadd.s32 $0x280, s16  }
0x10: {  	s12 =	sadd.s32 $0x10000, s7;
	s15 =	sadd.s32 $0x49600, s15;
	s13 =	sadd.s32 s13, s16  }
0x11: {  	s14 =	sadd.s32 s14, s16;
	s16 =	smax.u32 s17, $0x1;
	s17 =	simm.s32 $0x3  }
.LBB2_1:
0x12: {  	[tilespmem:s3], [sflag:$0x3] =	stream.linear.gather [hbm4b:s6+s3], $0x1400, $0x38;
	[tilespmem:$0x1E800] =	vst v63  }
0x13: {  	_ =	swait.ge [sflag:s17], $0x1400  }
0x14: {  	[sflag:s17] =	ssyncset.done $0x0  }
0x15: {  	[sflag:s17] =	ssyncadd.s32 $0xFFFFEC00  }
0x16: {  	[tilespmem:s18], [sflag:$0x3] =	stream.linear.gather [hbm4b:s8+s3], $0x1400, $0x38;
	[tilespmem:$0x1E800] =	vst v63  }
0x17: {  	_ =	swait.ge [sflag:s17], $0x1400  }
0x18: {  	[sflag:s17] =	ssyncset.done $0x0  }
0x19: {  	[sflag:s17] =	ssyncadd.s32 $0xFFFFEC00  }
0x1a: {  	[tilespmem:s20], [sflag:$0x1] =	stream.indirect.gather [hbm4b:s4+s19], $0x80, s18, s19, $0xb8;
	[tilespmem:$0x1E800] =	vst v63  }
0x1b: {  	_ = 	snop  }
0x1c: {  	[tilespmem:s21], [sflag:$0x3] =	stream.linear.gather [hbm4b:s5+s3], $0x4000, $0x38;
	[tilespmem:$0x1E800] =	vst v63  }
0x1d: {  	_ =	swait.ge [sflag:s17], $0x4000  }
0x1e: {  	[sflag:s17] =	ssyncset.done $0x0  }
0x1f: {  	[sflag:s17] =	ssyncadd.s32 $0xFFFFC000  }
0x20: {  	[spmem:s7] =	stream.linear.scatter [tilespmem:s21], [sflag:$0x2], $0x4000, $0x38;
	[tilespmem:$0x1E800] =	vst v63  }
0x21: {  	_ = 	snop  }
0x22: {  	[spmem:s9] =	stream.linear.scatter [tilespmem:s21], [sflag:$0x2], $0x4000, $0x38;
	[tilespmem:$0x1E800] =	vst v63  }
0x23: {  	_ = 	snop  }
0x24: {  	[spmem:s10] =	stream.linear.scatter [tilespmem:s21], [sflag:$0x2], $0x4000, $0x38;
	[tilespmem:$0x1E800] =	vst v63  }
0x25: {  	_ = 	snop  }
0x26: {  	[spmem:s11] =	stream.linear.scatter [tilespmem:s21], [sflag:$0x2], $0x4000, $0x38;
	[tilespmem:$0x1E800] =	vst v63  }
0x27: {  	_ = 	snop  }
0x28: {  	[spmem:s12] =	stream.linear.scatter [tilespmem:s21], [sflag:$0x2], $0x4000, $0x38;
	[tilespmem:$0x1E800] =	vst v63  }
0x29: {  	_ =	swait.ge [sflag:s22], $0x4000  }
0x2a: {  	[sflag:s22] =	ssyncset.done $0x0  }
0x2b: {  	[sflag:s22] =	ssyncadd.s32 $0xFFFFC000  }
0x2c: {  	_ =	swait.ge [sflag:s22], $0x4000  }
0x2d: {  	[sflag:s22] =	ssyncset.done $0x0  }
0x2e: {  	[sflag:s22] =	ssyncadd.s32 $0xFFFFC000  }
0x2f: {  	_ =	swait.ge [sflag:s22], $0x4000  }
0x30: {  	[sflag:s22] =	ssyncset.done $0x0  }
0x31: {  	[sflag:s22] =	ssyncadd.s32 $0xFFFFC000  }
0x32: {  	_ =	swait.ge [sflag:s22], $0x4000  }
0x33: {  	[sflag:s22] =	ssyncset.done $0x0  }
0x34: {  	[sflag:s22] =	ssyncadd.s32 $0xFFFFC000  }
0x35: {  	_ =	swait.ge [sflag:s22], $0x4000  }
0x36: {  	[sflag:s22] =	ssyncset.done $0x0  }
0x37: {  	[sflag:s22] =	ssyncadd.s32 $0xFFFFC000  }
0x38: {  	[bflag:$0x0] =	sbarrier.arrive $0xFFFF  }
0x39: {  	[tilespmem:s21], [sflag:$0x2] =	stream.indirect.gather [hbm4b:s4+s19], $0x80, s23, s19, $0xb8;
	[tilespmem:$0x1E800] =	vst v63  }
0x3a: {  	_ =	swait.ge [sflag:s24], $0x4000  }
0x3b: {  	[sflag:s24] =	ssyncset.done $0x0  }
0x3c: {  	s29 =	simm.s32 $0x0;
	[sflag:s24] =	ssyncadd.s32 $0xFFFFC000  }
0x3d: {  	[spmem:s1] =	stream.indirect.scatter.add.f32 [tilespmem:s20], [sflag:$0x3], $0x80, s29, s19, $0xb8;
	[tilespmem:$0x1E800] =	vst v63  }
0x3e: {  	_ =	swait.ge [sflag:s17], $0x4000  }
0x3f: {  	[sflag:s17] =	ssyncset.done $0x0  }
0x40: {  	s29 =	simm.s32 $0x1500;
	[sflag:s17] =	ssyncadd.s32 $0xFFFFC000  }
0x41: {  	[tilespmem:s20], [sflag:$0x1] =	stream.indirect.gather [hbm4b:s4+s19], $0x80, s29, s19, $0xb8;
	[tilespmem:$0x1E800] =	vst v63  }
0x42: {  	_ =	swait.ge [sflag:s22], $0x4000  }
0x43: {  	[sflag:s22] =	ssyncset.done $0x0  }
0x44: {  	s29 =	simm.s32 $0x80;
	[sflag:s22] =	ssyncadd.s32 $0xFFFFC000  }
0x45: {  	[spmem:s1] =	stream.indirect.scatter.add.f32 [tilespmem:s21], [sflag:$0x3], $0x80, s29, s19, $0xb8;
	[tilespmem:$0x1E800] =	vst v63  }
0x46: {  	_ =	swait.ge [sflag:s17], $0x4000  }
0x47: {  	[sflag:s17] =	ssyncset.done $0x0  }
0x48: {  	s30 =	simm.s32 $0x1580;
	s29 =	simm.s32 $0x400;
	[sflag:s17] =	ssyncadd.s32 $0xFFFFC000  }
.LBB2_2:
0x49: {  	[tilespmem:s21], [sflag:$0x2] =	stream.indirect.gather [hbm4b:s4+s19], $0x80, s30, s19, $0xb8;
	[tilespmem:$0x1E800] =	vst v63  }
0x4a: {  	s30 =	smov.u32 s29  }
0x4b: {  	p0 =	sne.s32 s29, $0x4800;
	s29 =	sadd.s32 $0x400, s29;
	_ =	swait.ge [sflag:s24], $0x4000  }
0x4c: {  	[sflag:s24] =	ssyncset.done $0x0  }
0x4d: {  	s30 =	sshra.s32 s30, $0x2;
	[sflag:s24] =	ssyncadd.s32 $0xFFFFC000  }
0x4e: {  	[spmem:s1] =	stream.indirect.scatter.add.f32 [tilespmem:s20], [sflag:$0x3], $0x80, s30, s19, $0xb8;
	[tilespmem:$0x1E800] =	vst v63  }
0x4f: {  	_ =	swait.ge [sflag:s17], $0x4000  }
0x50: {  	[sflag:s17] =	ssyncset.done $0x0  }
0x51: {  	s31 =	sadd.s32 $0x1500, s30;
	[sflag:s17] =	ssyncadd.s32 $0xFFFFC000  }
0x52: {  	[tilespmem:s20], [sflag:$0x1] =	stream.indirect.gather [hbm4b:s4+s19], $0x80, s31, s19, $0xb8;
	[tilespmem:$0x1E800] =	vst v63  }
0x53: {  	_ =	swait.ge [sflag:s22], $0x4000  }
0x54: {  	[sflag:s22] =	ssyncset.done $0x0  }
.Ltmp0:
0x55: {  	s31 =	sadd.s32 $0x80, s30;
	[sflag:s22] =	ssyncadd.s32 $0xFFFFC000;
	(pc) =	sbr.rel @p0 .LBB2_2-.Ltmp0, $4  }
0x56: {  	[spmem:s1] =	stream.indirect.scatter.add.f32 [tilespmem:s21], [sflag:$0x3], $0x80, s31, s19, $0xb8;
	[tilespmem:$0x1E800] =	vst v63  }
0x57: {  	_ =	swait.ge [sflag:s17], $0x4000  }
0x58: {  	[sflag:s17] =	ssyncset.done $0x0  }
0x59: {  	s30 =	sadd.s32 $0x1580, s30;
	[sflag:s17] =	ssyncadd.s32 $0xFFFFC000  }
0x5a: {  	[tilespmem:s21], [sflag:$0x2] =	stream.indirect.gather [hbm4b:s4+s19], $0x80, s30, s19, $0xb8;
	[tilespmem:$0x1E800] =	vst v63  }
0x5b: {  	_ =	swait.ge [sflag:s24], $0x4000  }
0x5c: {  	[sflag:s24] =	ssyncset.done $0x0  }
0x5d: {  	[sflag:s24] =	ssyncadd.s32 $0xFFFFC000  }
0x5e: {  	[spmem:s1] =	stream.indirect.scatter.add.f32 [tilespmem:s20], [sflag:$0x3], $0x80, s25, s19, $0xb8;
	[tilespmem:$0x1E800] =	vst v63  }
0x5f: {  	_ =	swait.ge [sflag:s17], $0x4000  }
0x60: {  	[sflag:s17] =	ssyncset.done $0x0  }
0x61: {  	[sflag:s17] =	ssyncadd.s32 $0xFFFFC000  }
0x62: {  	_ =	swait.ge [sflag:s22], $0x4000  }
0x63: {  	[sflag:s22] =	ssyncset.done $0x0  }
0x64: {  	[sflag:s22] =	ssyncadd.s32 $0xFFFFC000  }
0x65: {  	[spmem:s1] =	stream.indirect.scatter.add.f32 [tilespmem:s21], [sflag:$0x3], $0x80, s26, s19, $0xb8;
	[tilespmem:$0x1E800] =	vst v63  }
0x66: {  	_ =	swait.ge [sflag:s17], $0x4000  }
0x67: {  	[sflag:s17] =	ssyncset.done $0x0  }
0x68: {  	s29 =	simm.s32 $0x0;
	[sflag:s17] =	ssyncadd.s32 $0xFFFFC000  }
0x69: {  	[tilespmem:s29], [sflag:$0x3] =	stream.linear.gather [hbm4b:s13+s29], $0x1400, $0x38;
	[tilespmem:$0x1E800] =	vst v63  }
0x6a: {  	_ =	swait.ge [sflag:s17], $0x1400  }
0x6b: {  	[sflag:s17] =	ssyncset.done $0x0  }
0x6c: {  	[sflag:s17] =	ssyncadd.s32 $0xFFFFEC00  }
0x6d: {  	[tilespmem:s18], [sflag:$0x3] =	stream.linear.gather [hbm4b:s14+s29], $0x1400, $0x38;
	[tilespmem:$0x1E800] =	vst v63  }
0x6e: {  	_ =	swait.ge [sflag:s17], $0x1400  }
0x6f: {  	[sflag:s17] =	ssyncset.done $0x0  }
0x70: {  	[sflag:s17] =	ssyncadd.s32 $0xFFFFEC00  }
0x71: {  	[tilespmem:s20], [sflag:$0x1] =	stream.indirect.gather [hbm4b:s4+s19], $0x80, s18, s19, $0xb8;
	[tilespmem:$0x1E800] =	vst v63  }
0x72: {  	_ = 	snop  }
0x73: {  	[tilespmem:s21], [sflag:$0x2] =	stream.indirect.gather [hbm4b:s4+s19], $0x80, s23, s19, $0xb8;
	[tilespmem:$0x1E800] =	vst v63  }
0x74: {  	_ =	swait.ge [sflag:s24], $0x4000  }
0x75: {  	[sflag:s24] =	ssyncset.done $0x0  }
0x76: {  	s29 =	simm.s32 $0x0;
	[sflag:s24] =	ssyncadd.s32 $0xFFFFC000  }
0x77: {  	[spmem:s1] =	stream.indirect.scatter.add.f32 [tilespmem:s20], [sflag:$0x3], $0x80, s29, s19, $0xb8;
	[tilespmem:$0x1E800] =	vst v63  }
0x78: {  	_ =	swait.ge [sflag:s17], $0x4000  }
0x79: {  	[sflag:s17] =	ssyncset.done $0x0  }
0x7a: {  	s29 =	simm.s32 $0x1500;
	[sflag:s17] =	ssyncadd.s32 $0xFFFFC000  }
0x7b: {  	[tilespmem:s20], [sflag:$0x1] =	stream.indirect.gather [hbm4b:s4+s19], $0x80, s29, s19, $0xb8;
	[tilespmem:$0x1E800] =	vst v63  }
0x7c: {  	_ =	swait.ge [sflag:s22], $0x4000  }
0x7d: {  	[sflag:s22] =	ssyncset.done $0x0  }
0x7e: {  	s29 =	simm.s32 $0x80;
	[sflag:s22] =	ssyncadd.s32 $0xFFFFC000  }
0x7f: {  	[spmem:s1] =	stream.indirect.scatter.add.f32 [tilespmem:s21], [sflag:$0x3], $0x80, s29, s19, $0xb8;
	[tilespmem:$0x1E800] =	vst v63  }
0x80: {  	_ =	swait.ge [sflag:s17], $0x4000  }
0x81: {  	[sflag:s17] =	ssyncset.done $0x0  }
0x82: {  	s30 =	simm.s32 $0x1580;
	s29 =	simm.s32 $0x400;
	[sflag:s17] =	ssyncadd.s32 $0xFFFFC000  }
.LBB2_4:
0x83: {  	[tilespmem:s21], [sflag:$0x2] =	stream.indirect.gather [hbm4b:s4+s19], $0x80, s30, s19, $0xb8;
	[tilespmem:$0x1E800] =	vst v63  }
0x84: {  	s30 =	smov.u32 s29  }
0x85: {  	p0 =	sne.s32 s29, $0x4800;
	s29 =	sadd.s32 $0x400, s29;
	_ =	swait.ge [sflag:s24], $0x4000  }
0x86: {  	[sflag:s24] =	ssyncset.done $0x0  }
0x87: {  	s30 =	sshra.s32 s30, $0x2;
	[sflag:s24] =	ssyncadd.s32 $0xFFFFC000  }
0x88: {  	[spmem:s1] =	stream.indirect.scatter.add.f32 [tilespmem:s20], [sflag:$0x3], $0x80, s30, s19, $0xb8;
	[tilespmem:$0x1E800] =	vst v63  }
0x89: {  	_ =	swait.ge [sflag:s17], $0x4000  }
0x8a: {  	[sflag:s17] =	ssyncset.done $0x0  }
0x8b: {  	s31 =	sadd.s32 $0x1500, s30;
	[sflag:s17] =	ssyncadd.s32 $0xFFFFC000  }
0x8c: {  	[tilespmem:s20], [sflag:$0x1] =	stream.indirect.gather [hbm4b:s4+s19], $0x80, s31, s19, $0xb8;
	[tilespmem:$0x1E800] =	vst v63  }
0x8d: {  	_ =	swait.ge [sflag:s22], $0x4000  }
0x8e: {  	[sflag:s22] =	ssyncset.done $0x0  }
.Ltmp1:
0x8f: {  	s31 =	sadd.s32 $0x80, s30;
	[sflag:s22] =	ssyncadd.s32 $0xFFFFC000;
	(pc) =	sbr.rel @p0 .LBB2_4-.Ltmp1, $4  }
0x90: {  	[spmem:s1] =	stream.indirect.scatter.add.f32 [tilespmem:s21], [sflag:$0x3], $0x80, s31, s19, $0xb8;
	[tilespmem:$0x1E800] =	vst v63  }
0x91: {  	_ =	swait.ge [sflag:s17], $0x4000  }
0x92: {  	[sflag:s17] =	ssyncset.done $0x0  }
0x93: {  	s30 =	sadd.s32 $0x1580, s30;
	[sflag:s17] =	ssyncadd.s32 $0xFFFFC000  }
0x94: {  	[tilespmem:s21], [sflag:$0x2] =	stream.indirect.gather [hbm4b:s4+s19], $0x80, s30, s19, $0xb8;
	[tilespmem:$0x1E800] =	vst v63  }
0x95: {  	_ =	swait.ge [sflag:s24], $0x4000  }
0x96: {  	[sflag:s24] =	ssyncset.done $0x0  }
0x97: {  	[sflag:s24] =	ssyncadd.s32 $0xFFFFC000  }
0x98: {  	[spmem:s1] =	stream.indirect.scatter.add.f32 [tilespmem:s20], [sflag:$0x3], $0x80, s25, s19, $0xb8;
	[tilespmem:$0x1E800] =	vst v63  }
0x99: {  	_ =	swait.ge [sflag:s17], $0x4000  }
0x9a: {  	[sflag:s17] =	ssyncset.done $0x0  }
0x9b: {  	[sflag:s17] =	ssyncadd.s32 $0xFFFFC000  }
0x9c: {  	_ =	swait.ge [sflag:s22], $0x4000  }
0x9d: {  	[sflag:s22] =	ssyncset.done $0x0  }
0x9e: {  	[sflag:s22] =	ssyncadd.s32 $0xFFFFC000  }
0x9f: {  	[spmem:s1] =	stream.indirect.scatter.add.f32 [tilespmem:s21], [sflag:$0x3], $0x80, s26, s19, $0xb8;
	[tilespmem:$0x1E800] =	vst v63  }
0xa0: {  	_ =	swait.ge [sflag:s17], $0x4000  }
0xa1: {  	s29 =	sshll.u32 s2, $0x6;
	s28 =	sadd.s32 $0x1, s28;
	[sflag:s17] =	ssyncset.done $0x0  }
0xa2: {  	s31 =	sshrl.u32 s7, $0x3;
	p0 =	sne.s32 s28, s16;
	[sflag:s17] =	ssyncadd.s32 $0xFFFFC000  }
.Ltmp2:
0xa3: {  	s29 =	sor.u32 $0x1C03, s29;
	[bflag:$0x0] =	sbarrier.arrive $0xFFFF;
	(pc) =	sbr.rel @p0 .LBB2_1-.Ltmp2, $4  }
0xa4: {  	[hbm:s15], [sflag:s29] =	dma.local [spmem:s31], $0x2800  }
0xa5: {  	_ =	swait.ge [sflag:s17], $0x2800  }
0xa6: {  	[sflag:s17] =	ssyncset.done $0x0  }
0xa7: {  	[sflag:s17] =	ssyncadd.s32 $0xFFFFD800  }
0xa8: {  	_ =	sfence.sel $0x180000  }
0xa9: {  	[bflag:$0x0] =	sbarrier.arrive $0xFFFF  }
0xaa: {  	p0 =	sne.s32 s2, $0x0;
	_ =	strace $0x9000004A  }
0xab: {  	s0 =	sadd.s32 @!p0 $0x100000, s0;
	[bflag:$0x2] =	sbarrier.arrive $0xFFFF  }
0xac: {  	[sflag:s0] =	ssyncadd.tile.s32 @!p0 $0x1;
	_ =	shalt  }
.Lfunc_end2:
_tile_overlayer_lowered:
.L_overlay_start_2:
0xad: {  	(tag) =	ssettag $0x2  }
0xae: {  	s0 =	rddreg [dreg:$0x0];
	s2 =	stileid.u32  }
0xaf: {  	s1 =	rddreg [dreg:$0x1];
	p0 =	sne.s32 s2, $0x0  }
0xb0: {  	s3 =	rddreg [dreg:$0x2];
	[bflag:$0x3] =	sbarrier.arrive $0xFFFF;
	s2 =	simm.s32 @!p0 $0x1C03  }
0xb1: {  	[timem:s3], [sflag:s2] =	dma.local @!p0 [hbm:s0], s1  }
0xb2: {  	s0 =	simm.s32 @!p0 $0x3  }
0xb3: {  	_ =	swait.ge @!p0 [sflag:s0], s1  }
0xb4: {  	s1 =	ssub.s32 @!p0 $0x0, s1;
	[sflag:s0] =	ssyncset.done @!p0 $0x0  }
0xb5: {  	[sflag:s0] =	ssyncadd.s32 @!p0 s1  }
0xb6: {  	[bflag:$0x3] =	sbarrier.arrive $0xFFFF  }
0xb7: {  	_ =	shalt  }

</sc_bundles>
